<compile_context>
chip_gen: v7x
topology: tpu7x:2x2x1
jax: 0.10.2.dev20260603
libtpu: 0.0.44.dev20260713+nightly
codegen_flags: <defaults>
</compile_context>

<pallas_src>
import functools

import jax
import jax.numpy as jnp
from jax import lax
from jax.experimental import pallas as pl
from jax.experimental.pallas import tpu as pltpu
from jax.experimental.pallas import tpu_sc as plsc

N = 100000
HID = 128
VOCAB = 21
CHUNK = 128
NW = 32
NBUF = 4
N_CHUNKS = 782
LAST_BASE = N - CHUNK
MAIN_STEPS = 24

_mesh = plsc.VectorSubcoreMesh(core_axis_name="c", subcore_axis_name="s")


@functools.partial(
    pl.kernel,
    mesh=_mesh,
    out_type=jax.ShapeDtypeStruct((N, HID), jnp.float32),
    scratch_types=[
        pltpu.VMEM_SHARED((VOCAB, HID), jnp.float32),
        pltpu.VMEM((NBUF, CHUNK), jnp.int32),
        pltpu.VMEM((NBUF, CHUNK, HID), jnp.float32),
    ]
    + [pltpu.SemaphoreType.DMA] * (2 * NBUF),
)
def _embed(table_hbm, idx_hbm, out_hbm, tab_sh, idx_v, rows_v, *sems):
    sg = sems[:NBUF]
    sw = sems[NBUF:]
    sid = lax.axis_index("s")
    wid = sid * 2 + lax.axis_index("c")

    @pl.when(sid == 0)
    def _():
        pltpu.sync_copy(table_hbm, tab_sh)

    plsc.subcore_barrier()

    def valid(i):
        return wid + NW * i < N_CHUNKS

    def cbase(i):
        c = wid + NW * i
        return pl.multiple_of(jnp.minimum(c * CHUNK, LAST_BASE), 8)

    def stage_and_fire(i, b):
        base = cbase(i)
        pltpu.sync_copy(idx_hbm.at[pl.ds(base, CHUNK)], idx_v.at[b])
        pltpu.async_copy(tab_sh.at[idx_v.at[b]], rows_v.at[b], sg[b])

    def wait_gather(b):
        pltpu.make_async_copy(tab_sh.at[idx_v.at[b]], rows_v.at[b], sg[b]).wait()

    def fire_write(i, b):
        pltpu.async_copy(rows_v.at[b], out_hbm.at[pl.ds(cbase(i), CHUNK)], sw[b])

    def wait_write(b):
        pltpu.make_async_copy(rows_v.at[b], out_hbm.at[pl.ds(0, CHUNK)], sw[b]).wait()

    for b in range(NBUF):
        stage_and_fire(b, b)

    def quad(p, carry):
        for b in range(NBUF):
            i = NBUF * p + b

            @pl.when(valid(i))
            def _():
                wait_gather(b)
                fire_write(i, b)

        for b in range(NBUF):
            i = NBUF * p + b

            @pl.when(valid(i))
            def _():
                wait_write(b)

            @pl.when(valid(i + NBUF))
            def _():
                stage_and_fire(i + NBUF, b)

        return carry

    lax.fori_loop(0, (MAIN_STEPS + NBUF) // NBUF, quad, 0)


def kernel(x, table):
    return _embed(table, x.astype(jnp.int32))

# --- scband reference (transcript-rebuilt; emitter-appended) ---
"""Pipeline reference for scband-feature-encoder-12386685681746 (READ-ONLY COPY).

The authoritative reference and input builder live on the scoring server;
editing this copy changes nothing except your own understanding.
"""

import jax, jax.numpy as jnp
import numpy as np

N_NODES = 100000
VOCAB = 21  # ZINC atom types
HIDDEN = 128

def _xavier_uniform(key, shape):
    fan_in, fan_out = shape[0], shape[1]
    a = float(np.sqrt(6.0 / (fan_in + fan_out)))
    return jax.random.uniform(key, shape, dtype=jnp.float32, minval=-a, maxval=a)

def setup_inputs(seed: int = 0) -> dict:
    key = jax.random.key(seed)
    k_idx, k_tab = jax.random.split(key)
    x = jax.random.randint(k_idx, (N_NODES,), 0, VOCAB, dtype=jnp.int64 if jax.config.jax_enable_x64 else jnp.int32)
    table = _xavier_uniform(k_tab, (VOCAB, HIDDEN))
    return {"x": x, "table": table}

def reference(x, table):
    # FeatureEncoder with type_encoder='zinc' and no lap/rw/partition encoders
    # reduces to ZINCAtomEncoder: a plain embedding lookup over node atom-type ids.
    return jnp.take(table, x, axis=0)

if __name__ == "__main__":
    import jax
    _d = setup_inputs()
    print(jax.jit(kernel)(*tuple(_d.values())))

</pallas_src>

<mosaic_0001>
#map = affine_map<(d0, d1) -> (0, 0)>
#map1 = affine_map<(d0, d1) -> (0)>
module attributes {stable_mosaic.version = 14 : i64} {
  func.func @_embed(%arg0: i32, %arg1: i32, %arg2: memref<21x128xf32, #tpu.memory_space<hbm>>, %arg3: memref<100000xi32, #tpu.memory_space<hbm>>, %arg4: memref<100000x128xf32, #tpu.memory_space<hbm>>, %arg5: memref<21x128xf32, #tpu.memory_space<vmem_shared>>, %arg6: memref<4x128xi32, #tpu.memory_space<vmem>>, %arg7: memref<4x128x128xf32, #tpu.memory_space<vmem>>, %arg8: memref<!tpu.dma_semaphore, #tpu.memory_space<semaphore_mem>>, %arg9: memref<!tpu.dma_semaphore, #tpu.memory_space<semaphore_mem>>, %arg10: memref<!tpu.dma_semaphore, #tpu.memory_space<semaphore_mem>>, %arg11: memref<!tpu.dma_semaphore, #tpu.memory_space<semaphore_mem>>, %arg12: memref<!tpu.dma_semaphore, #tpu.memory_space<semaphore_mem>>, %arg13: memref<!tpu.dma_semaphore, #tpu.memory_space<semaphore_mem>>, %arg14: memref<!tpu.dma_semaphore, #tpu.memory_space<semaphore_mem>>, %arg15: memref<!tpu.dma_semaphore, #tpu.memory_space<semaphore_mem>>) attributes {dimension_semantics = [#tpu.dimension_semantics<core_parallel>, #tpu.dimension_semantics<subcore_parallel>], iteration_bounds = array<i64: 2, 16>, scalar_prefetch = 0 : i64, scratch_operands = 11 : i64, tpu.core_type = #tpu.core_type<sc_vector_subcore>, window_params = [{transform_indices = #map}, {transform_indices = #map1}, {transform_indices = #map}]} {
    %mul3A = arith.constant 2 : i32
    %mul3A_0 = arith.muli %arg1, %mul3A : i32
    %add3A = arith.addi %mul3A_0, %arg0 : i32
    %eq3A = arith.constant 0 : i32
    %eq3A_1 = arith.cmpi eq, %arg1, %eq3A : i32
    %convert_element_type3A = arith.extui %eq3A_1 : i1 to i32
    %cond3A = arith.constant 0 : i32
    %cond3A_2 = arith.cmpi ne, %convert_element_type3A, %cond3A : i32
    scf.if %cond3A_2 {
      "tpu.region"() ({
        %run_scoped3A_84 = tpu.sem_alloc : memref<!tpu.dma_semaphore, #tpu.memory_space<semaphore_mem>>
        tpu.enqueue_dma source(%arg2 : memref<21x128xf32, #tpu.memory_space<hbm>>) target(%arg5 : memref<21x128xf32, #tpu.memory_space<vmem_shared>>) target_semaphore(%run_scoped3A_84 : memref<!tpu.dma_semaphore, #tpu.memory_space<semaphore_mem>>)
        tpu.wait_dma2 semaphore(%run_scoped3A_84 : memref<!tpu.dma_semaphore, #tpu.memory_space<semaphore_mem>>) src(%arg2 : memref<21x128xf32, #tpu.memory_space<hbm>>) dst(%arg5 : memref<21x128xf32, #tpu.memory_space<vmem_shared>>)
        tpu.yield
      }) : () -> ()
    } else {
    }
    %barrier3A = arith.constant 0 : index
    tpu.barrier barrier_id(%barrier3A)
    %add3A_3 = arith.constant 0 : i32
    %add3A_4 = arith.addi %add3A, %add3A_3 : i32
    %mul3A_5 = arith.constant 128 : i32
    %mul3A_6 = arith.muli %add3A_4, %mul3A_5 : i32
    %min3A = arith.constant 99872 : i32
    %min3A_7 = arith.minsi %mul3A_6, %min3A : i32
    %multiple_of3A = tpu.assume_multiple %min3A_7, 8 : i32
    %run_scoped3A = arith.constant 0 : i32
    "tpu.region"() ({
      %run_scoped3A_84 = tpu.sem_alloc : memref<!tpu.dma_semaphore, #tpu.memory_space<semaphore_mem>>
      %dma_start3A_85 = arith.constant 0 : i32
      %dma_start3A_86 = tpu.memref_slice %arg6[%run_scoped3A, %dma_start3A_85] : memref<4x128xi32, #tpu.memory_space<vmem>> -> memref<1x128xi32, #tpu.memory_space<vmem>>
      %dma_start3A_87 = tpu.memref_squeeze %dma_start3A_86 : memref<1x128xi32, #tpu.memory_space<vmem>> -> memref<128xi32, #tpu.memory_space<vmem>>
      %dma_start3A_88 = tpu.memref_slice %arg3[%multiple_of3A] : memref<100000xi32, #tpu.memory_space<hbm>> -> memref<128xi32, #tpu.memory_space<hbm>>
      %dma_start3A_89 = arith.constant 0 : i32
      %dma_start3A_90 = tpu.memref_slice %arg6[%run_scoped3A, %dma_start3A_89] : memref<4x128xi32, #tpu.memory_space<vmem>> -> memref<1x128xi32, #tpu.memory_space<vmem>>
      %dma_start3A_91 = tpu.memref_squeeze %dma_start3A_90 : memref<1x128xi32, #tpu.memory_space<vmem>> -> memref<128xi32, #tpu.memory_space<vmem>>
      %dma_start3A_92 = tpu.memref_slice %arg3[%multiple_of3A] : memref<100000xi32, #tpu.memory_space<hbm>> -> memref<128xi32, #tpu.memory_space<hbm>>
      tpu.enqueue_dma source(%dma_start3A_92 : memref<128xi32, #tpu.memory_space<hbm>>) target(%dma_start3A_91 : memref<128xi32, #tpu.memory_space<vmem>>) target_semaphore(%run_scoped3A_84 : memref<!tpu.dma_semaphore, #tpu.memory_space<semaphore_mem>>)
      %dma_wait3A = arith.constant 0 : i32
      %dma_wait3A_93 = tpu.memref_slice %arg6[%run_scoped3A, %dma_wait3A] : memref<4x128xi32, #tpu.memory_space<vmem>> -> memref<1x128xi32, #tpu.memory_space<vmem>>
      %dma_wait3A_94 = tpu.memref_squeeze %dma_wait3A_93 : memref<1x128xi32, #tpu.memory_space<vmem>> -> memref<128xi32, #tpu.memory_space<vmem>>
      %dma_wait3A_95 = tpu.memref_slice %arg3[%multiple_of3A] : memref<100000xi32, #tpu.memory_space<hbm>> -> memref<128xi32, #tpu.memory_space<hbm>>
      %dma_wait3A_96 = arith.constant 0 : i32
      %dma_wait3A_97 = tpu.memref_slice %arg6[%run_scoped3A, %dma_wait3A_96] : memref<4x128xi32, #tpu.memory_space<vmem>> -> memref<1x128xi32, #tpu.memory_space<vmem>>
      %dma_wait3A_98 = tpu.memref_squeeze %dma_wait3A_97 : memref<1x128xi32, #tpu.memory_space<vmem>> -> memref<128xi32, #tpu.memory_space<vmem>>
      %dma_wait3A_99 = tpu.memref_slice %arg3[%multiple_of3A] : memref<100000xi32, #tpu.memory_space<hbm>> -> memref<128xi32, #tpu.memory_space<hbm>>
      tpu.wait_dma2 semaphore(%run_scoped3A_84 : memref<!tpu.dma_semaphore, #tpu.memory_space<semaphore_mem>>) src(%dma_wait3A_99 : memref<128xi32, #tpu.memory_space<hbm>>) dst(%dma_wait3A_98 : memref<128xi32, #tpu.memory_space<vmem>>)
      tpu.yield
    }) : () -> ()
    %dma_start3A = arith.constant 0 : i32
    %dma_start3A_8 = arith.constant 0 : i32
    %dma_start3A_9 = arith.constant 0 : i32
    %dma_start3A_10 = arith.constant 0 : i32
    %dma_start3A_11 = tpu.memref_slice %arg7[%dma_start3A_8, %dma_start3A_9, %dma_start3A_10] : memref<4x128x128xf32, #tpu.memory_space<vmem>> -> memref<1x128x128xf32, #tpu.memory_space<vmem>>
    %dma_start3A_12 = tpu.memref_squeeze %dma_start3A_11 : memref<1x128x128xf32, #tpu.memory_space<vmem>> -> memref<128x128xf32, #tpu.memory_space<vmem>>
    %dma_start3A_13 = arith.constant 0 : i32
    %dma_start3A_14 = tpu.memref_slice %arg6[%dma_start3A, %dma_start3A_13] : memref<4x128xi32, #tpu.memory_space<vmem>> -> memref<1x128xi32, #tpu.memory_space<vmem>>
    %dma_start3A_15 = tpu.memref_squeeze %dma_start3A_14 : memref<1x128xi32, #tpu.memory_space<vmem>> -> memref<128xi32, #tpu.memory_space<vmem>>
    %dma_start3A_16 = arith.constant 0 : i32
    %dma_start3A_17 = arith.constant 0 : i32
    %dma_start3A_18 = tpu.memref_slice %arg5[%dma_start3A_16, %dma_start3A_17] : memref<21x128xf32, #tpu.memory_space<vmem_shared>> -> memref<21x128xf32, #tpu.memory_space<vmem_shared>>
    tpu.enqueue_indirect_dma source(%dma_start3A_18 : memref<21x128xf32, #tpu.memory_space<vmem_shared>>) target(%dma_start3A_12 : memref<128x128xf32, #tpu.memory_space<vmem>>) offsets(%dma_start3A_15 : memref<128xi32, #tpu.memory_space<vmem>>) semaphore(%arg8 : memref<!tpu.dma_semaphore, #tpu.memory_space<semaphore_mem>>)
    %add3A_19 = arith.constant 32 : i32
    %add3A_20 = arith.addi %add3A, %add3A_19 : i32
    %mul3A_21 = arith.constant 128 : i32
    %mul3A_22 = arith.muli %add3A_20, %mul3A_21 : i32
    %min3A_23 = arith.constant 99872 : i32
    %min3A_24 = arith.minsi %mul3A_22, %min3A_23 : i32
    %multiple_of3A_25 = tpu.assume_multiple %min3A_24, 8 : i32
    %run_scoped3A_26 = arith.constant 1 : i32
    "tpu.region"() ({
      %run_scoped3A_84 = tpu.sem_alloc : memref<!tpu.dma_semaphore, #tpu.memory_space<semaphore_mem>>
      %dma_start3A_85 = arith.constant 0 : i32
      %dma_start3A_86 = tpu.memref_slice %arg6[%run_scoped3A_26, %dma_start3A_85] : memref<4x128xi32, #tpu.memory_space<vmem>> -> memref<1x128xi32, #tpu.memory_space<vmem>>
      %dma_start3A_87 = tpu.memref_squeeze %dma_start3A_86 : memref<1x128xi32, #tpu.memory_space<vmem>> -> memref<128xi32, #tpu.memory_space<vmem>>
      %dma_start3A_88 = tpu.memref_slice %arg3[%multiple_of3A_25] : memref<100000xi32, #tpu.memory_space<hbm>> -> memref<128xi32, #tpu.memory_space<hbm>>
      %dma_start3A_89 = arith.constant 0 : i32
      %dma_start3A_90 = tpu.memref_slice %arg6[%run_scoped3A_26, %dma_start3A_89] : memref<4x128xi32, #tpu.memory_space<vmem>> -> memref<1x128xi32, #tpu.memory_space<vmem>>
      %dma_start3A_91 = tpu.memref_squeeze %dma_start3A_90 : memref<1x128xi32, #tpu.memory_space<vmem>> -> memref<128xi32, #tpu.memory_space<vmem>>
      %dma_start3A_92 = tpu.memref_slice %arg3[%multiple_of3A_25] : memref<100000xi32, #tpu.memory_space<hbm>> -> memref<128xi32, #tpu.memory_space<hbm>>
      tpu.enqueue_dma source(%dma_start3A_92 : memref<128xi32, #tpu.memory_space<hbm>>) target(%dma_start3A_91 : memref<128xi32, #tpu.memory_space<vmem>>) target_semaphore(%run_scoped3A_84 : memref<!tpu.dma_semaphore, #tpu.memory_space<semaphore_mem>>)
      %dma_wait3A = arith.constant 0 : i32
      %dma_wait3A_93 = tpu.memref_slice %arg6[%run_scoped3A_26, %dma_wait3A] : memref<4x128xi32, #tpu.memory_space<vmem>> -> memref<1x128xi32, #tpu.memory_space<vmem>>
      %dma_wait3A_94 = tpu.memref_squeeze %dma_wait3A_93 : memref<1x128xi32, #tpu.memory_space<vmem>> -> memref<128xi32, #tpu.memory_space<vmem>>
      %dma_wait3A_95 = tpu.memref_slice %arg3[%multiple_of3A_25] : memref<100000xi32, #tpu.memory_space<hbm>> -> memref<128xi32, #tpu.memory_space<hbm>>
      %dma_wait3A_96 = arith.constant 0 : i32
      %dma_wait3A_97 = tpu.memref_slice %arg6[%run_scoped3A_26, %dma_wait3A_96] : memref<4x128xi32, #tpu.memory_space<vmem>> -> memref<1x128xi32, #tpu.memory_space<vmem>>
      %dma_wait3A_98 = tpu.memref_squeeze %dma_wait3A_97 : memref<1x128xi32, #tpu.memory_space<vmem>> -> memref<128xi32, #tpu.memory_space<vmem>>
      %dma_wait3A_99 = tpu.memref_slice %arg3[%multiple_of3A_25] : memref<100000xi32, #tpu.memory_space<hbm>> -> memref<128xi32, #tpu.memory_space<hbm>>
      tpu.wait_dma2 semaphore(%run_scoped3A_84 : memref<!tpu.dma_semaphore, #tpu.memory_space<semaphore_mem>>) src(%dma_wait3A_99 : memref<128xi32, #tpu.memory_space<hbm>>) dst(%dma_wait3A_98 : memref<128xi32, #tpu.memory_space<vmem>>)
      tpu.yield
    }) : () -> ()
    %dma_start3A_27 = arith.constant 1 : i32
    %dma_start3A_28 = arith.constant 1 : i32
    %dma_start3A_29 = arith.constant 0 : i32
    %dma_start3A_30 = arith.constant 0 : i32
    %dma_start3A_31 = tpu.memref_slice %arg7[%dma_start3A_28, %dma_start3A_29, %dma_start3A_30] : memref<4x128x128xf32, #tpu.memory_space<vmem>> -> memref<1x128x128xf32, #tpu.memory_space<vmem>>
    %dma_start3A_32 = tpu.memref_squeeze %dma_start3A_31 : memref<1x128x128xf32, #tpu.memory_space<vmem>> -> memref<128x128xf32, #tpu.memory_space<vmem>>
    %dma_start3A_33 = arith.constant 0 : i32
    %dma_start3A_34 = tpu.memref_slice %arg6[%dma_start3A_27, %dma_start3A_33] : memref<4x128xi32, #tpu.memory_space<vmem>> -> memref<1x128xi32, #tpu.memory_space<vmem>>
    %dma_start3A_35 = tpu.memref_squeeze %dma_start3A_34 : memref<1x128xi32, #tpu.memory_space<vmem>> -> memref<128xi32, #tpu.memory_space<vmem>>
    %dma_start3A_36 = arith.constant 0 : i32
    %dma_start3A_37 = arith.constant 0 : i32
    %dma_start3A_38 = tpu.memref_slice %arg5[%dma_start3A_36, %dma_start3A_37] : memref<21x128xf32, #tpu.memory_space<vmem_shared>> -> memref<21x128xf32, #tpu.memory_space<vmem_shared>>
    tpu.enqueue_indirect_dma source(%dma_start3A_38 : memref<21x128xf32, #tpu.memory_space<vmem_shared>>) target(%dma_start3A_32 : memref<128x128xf32, #tpu.memory_space<vmem>>) offsets(%dma_start3A_35 : memref<128xi32, #tpu.memory_space<vmem>>) semaphore(%arg9 : memref<!tpu.dma_semaphore, #tpu.memory_space<semaphore_mem>>)
    %add3A_39 = arith.constant 64 : i32
    %add3A_40 = arith.addi %add3A, %add3A_39 : i32
    %mul3A_41 = arith.constant 128 : i32
    %mul3A_42 = arith.muli %add3A_40, %mul3A_41 : i32
    %min3A_43 = arith.constant 99872 : i32
    %min3A_44 = arith.minsi %mul3A_42, %min3A_43 : i32
    %multiple_of3A_45 = tpu.assume_multiple %min3A_44, 8 : i32
    %run_scoped3A_46 = arith.constant 2 : i32
    "tpu.region"() ({
      %run_scoped3A_84 = tpu.sem_alloc : memref<!tpu.dma_semaphore, #tpu.memory_space<semaphore_mem>>
      %dma_start3A_85 = arith.constant 0 : i32
      %dma_start3A_86 = tpu.memref_slice %arg6[%run_scoped3A_46, %dma_start3A_85] : memref<4x128xi32, #tpu.memory_space<vmem>> -> memref<1x128xi32, #tpu.memory_space<vmem>>
      %dma_start3A_87 = tpu.memref_squeeze %dma_start3A_86 : memref<1x128xi32, #tpu.memory_space<vmem>> -> memref<128xi32, #tpu.memory_space<vmem>>
      %dma_start3A_88 = tpu.memref_slice %arg3[%multiple_of3A_45] : memref<100000xi32, #tpu.memory_space<hbm>> -> memref<128xi32, #tpu.memory_space<hbm>>
      %dma_start3A_89 = arith.constant 0 : i32
      %dma_start3A_90 = tpu.memref_slice %arg6[%run_scoped3A_46, %dma_start3A_89] : memref<4x128xi32, #tpu.memory_space<vmem>> -> memref<1x128xi32, #tpu.memory_space<vmem>>
      %dma_start3A_91 = tpu.memref_squeeze %dma_start3A_90 : memref<1x128xi32, #tpu.memory_space<vmem>> -> memref<128xi32, #tpu.memory_space<vmem>>
      %dma_start3A_92 = tpu.memref_slice %arg3[%multiple_of3A_45] : memref<100000xi32, #tpu.memory_space<hbm>> -> memref<128xi32, #tpu.memory_space<hbm>>
      tpu.enqueue_dma source(%dma_start3A_92 : memref<128xi32, #tpu.memory_space<hbm>>) target(%dma_start3A_91 : memref<128xi32, #tpu.memory_space<vmem>>) target_semaphore(%run_scoped3A_84 : memref<!tpu.dma_semaphore, #tpu.memory_space<semaphore_mem>>)
      %dma_wait3A = arith.constant 0 : i32
      %dma_wait3A_93 = tpu.memref_slice %arg6[%run_scoped3A_46, %dma_wait3A] : memref<4x128xi32, #tpu.memory_space<vmem>> -> memref<1x128xi32, #tpu.memory_space<vmem>>
      %dma_wait3A_94 = tpu.memref_squeeze %dma_wait3A_93 : memref<1x128xi32, #tpu.memory_space<vmem>> -> memref<128xi32, #tpu.memory_space<vmem>>
      %dma_wait3A_95 = tpu.memref_slice %arg3[%multiple_of3A_45] : memref<100000xi32, #tpu.memory_space<hbm>> -> memref<128xi32, #tpu.memory_space<hbm>>
      %dma_wait3A_96 = arith.constant 0 : i32
      %dma_wait3A_97 = tpu.memref_slice %arg6[%run_scoped3A_46, %dma_wait3A_96] : memref<4x128xi32, #tpu.memory_space<vmem>> -> memref<1x128xi32, #tpu.memory_space<vmem>>
      %dma_wait3A_98 = tpu.memref_squeeze %dma_wait3A_97 : memref<1x128xi32, #tpu.memory_space<vmem>> -> memref<128xi32, #tpu.memory_space<vmem>>
      %dma_wait3A_99 = tpu.memref_slice %arg3[%multiple_of3A_45] : memref<100000xi32, #tpu.memory_space<hbm>> -> memref<128xi32, #tpu.memory_space<hbm>>
      tpu.wait_dma2 semaphore(%run_scoped3A_84 : memref<!tpu.dma_semaphore, #tpu.memory_space<semaphore_mem>>) src(%dma_wait3A_99 : memref<128xi32, #tpu.memory_space<hbm>>) dst(%dma_wait3A_98 : memref<128xi32, #tpu.memory_space<vmem>>)
      tpu.yield
    }) : () -> ()
    %dma_start3A_47 = arith.constant 2 : i32
    %dma_start3A_48 = arith.constant 2 : i32
    %dma_start3A_49 = arith.constant 0 : i32
    %dma_start3A_50 = arith.constant 0 : i32
    %dma_start3A_51 = tpu.memref_slice %arg7[%dma_start3A_48, %dma_start3A_49, %dma_start3A_50] : memref<4x128x128xf32, #tpu.memory_space<vmem>> -> memref<1x128x128xf32, #tpu.memory_space<vmem>>
    %dma_start3A_52 = tpu.memref_squeeze %dma_start3A_51 : memref<1x128x128xf32, #tpu.memory_space<vmem>> -> memref<128x128xf32, #tpu.memory_space<vmem>>
    %dma_start3A_53 = arith.constant 0 : i32
    %dma_start3A_54 = tpu.memref_slice %arg6[%dma_start3A_47, %dma_start3A_53] : memref<4x128xi32, #tpu.memory_space<vmem>> -> memref<1x128xi32, #tpu.memory_space<vmem>>
    %dma_start3A_55 = tpu.memref_squeeze %dma_start3A_54 : memref<1x128xi32, #tpu.memory_space<vmem>> -> memref<128xi32, #tpu.memory_space<vmem>>
    %dma_start3A_56 = arith.constant 0 : i32
    %dma_start3A_57 = arith.constant 0 : i32
    %dma_start3A_58 = tpu.memref_slice %arg5[%dma_start3A_56, %dma_start3A_57] : memref<21x128xf32, #tpu.memory_space<vmem_shared>> -> memref<21x128xf32, #tpu.memory_space<vmem_shared>>
    tpu.enqueue_indirect_dma source(%dma_start3A_58 : memref<21x128xf32, #tpu.memory_space<vmem_shared>>) target(%dma_start3A_52 : memref<128x128xf32, #tpu.memory_space<vmem>>) offsets(%dma_start3A_55 : memref<128xi32, #tpu.memory_space<vmem>>) semaphore(%arg10 : memref<!tpu.dma_semaphore, #tpu.memory_space<semaphore_mem>>)
    %add3A_59 = arith.constant 96 : i32
    %add3A_60 = arith.addi %add3A, %add3A_59 : i32
    %mul3A_61 = arith.constant 128 : i32
    %mul3A_62 = arith.muli %add3A_60, %mul3A_61 : i32
    %min3A_63 = arith.constant 99872 : i32
    %min3A_64 = arith.minsi %mul3A_62, %min3A_63 : i32
    %multiple_of3A_65 = tpu.assume_multiple %min3A_64, 8 : i32
    %run_scoped3A_66 = arith.constant 3 : i32
    "tpu.region"() ({
      %run_scoped3A_84 = tpu.sem_alloc : memref<!tpu.dma_semaphore, #tpu.memory_space<semaphore_mem>>
      %dma_start3A_85 = arith.constant 0 : i32
      %dma_start3A_86 = tpu.memref_slice %arg6[%run_scoped3A_66, %dma_start3A_85] : memref<4x128xi32, #tpu.memory_space<vmem>> -> memref<1x128xi32, #tpu.memory_space<vmem>>
      %dma_start3A_87 = tpu.memref_squeeze %dma_start3A_86 : memref<1x128xi32, #tpu.memory_space<vmem>> -> memref<128xi32, #tpu.memory_space<vmem>>
      %dma_start3A_88 = tpu.memref_slice %arg3[%multiple_of3A_65] : memref<100000xi32, #tpu.memory_space<hbm>> -> memref<128xi32, #tpu.memory_space<hbm>>
      %dma_start3A_89 = arith.constant 0 : i32
      %dma_start3A_90 = tpu.memref_slice %arg6[%run_scoped3A_66, %dma_start3A_89] : memref<4x128xi32, #tpu.memory_space<vmem>> -> memref<1x128xi32, #tpu.memory_space<vmem>>
      %dma_start3A_91 = tpu.memref_squeeze %dma_start3A_90 : memref<1x128xi32, #tpu.memory_space<vmem>> -> memref<128xi32, #tpu.memory_space<vmem>>
      %dma_start3A_92 = tpu.memref_slice %arg3[%multiple_of3A_65] : memref<100000xi32, #tpu.memory_space<hbm>> -> memref<128xi32, #tpu.memory_space<hbm>>
      tpu.enqueue_dma source(%dma_start3A_92 : memref<128xi32, #tpu.memory_space<hbm>>) target(%dma_start3A_91 : memref<128xi32, #tpu.memory_space<vmem>>) target_semaphore(%run_scoped3A_84 : memref<!tpu.dma_semaphore, #tpu.memory_space<semaphore_mem>>)
      %dma_wait3A = arith.constant 0 : i32
      %dma_wait3A_93 = tpu.memref_slice %arg6[%run_scoped3A_66, %dma_wait3A] : memref<4x128xi32, #tpu.memory_space<vmem>> -> memref<1x128xi32, #tpu.memory_space<vmem>>
      %dma_wait3A_94 = tpu.memref_squeeze %dma_wait3A_93 : memref<1x128xi32, #tpu.memory_space<vmem>> -> memref<128xi32, #tpu.memory_space<vmem>>
      %dma_wait3A_95 = tpu.memref_slice %arg3[%multiple_of3A_65] : memref<100000xi32, #tpu.memory_space<hbm>> -> memref<128xi32, #tpu.memory_space<hbm>>
      %dma_wait3A_96 = arith.constant 0 : i32
      %dma_wait3A_97 = tpu.memref_slice %arg6[%run_scoped3A_66, %dma_wait3A_96] : memref<4x128xi32, #tpu.memory_space<vmem>> -> memref<1x128xi32, #tpu.memory_space<vmem>>
      %dma_wait3A_98 = tpu.memref_squeeze %dma_wait3A_97 : memref<1x128xi32, #tpu.memory_space<vmem>> -> memref<128xi32, #tpu.memory_space<vmem>>
      %dma_wait3A_99 = tpu.memref_slice %arg3[%multiple_of3A_65] : memref<100000xi32, #tpu.memory_space<hbm>> -> memref<128xi32, #tpu.memory_space<hbm>>
      tpu.wait_dma2 semaphore(%run_scoped3A_84 : memref<!tpu.dma_semaphore, #tpu.memory_space<semaphore_mem>>) src(%dma_wait3A_99 : memref<128xi32, #tpu.memory_space<hbm>>) dst(%dma_wait3A_98 : memref<128xi32, #tpu.memory_space<vmem>>)
      tpu.yield
    }) : () -> ()
    %dma_start3A_67 = arith.constant 3 : i32
    %dma_start3A_68 = arith.constant 3 : i32
    %dma_start3A_69 = arith.constant 0 : i32
    %dma_start3A_70 = arith.constant 0 : i32
    %dma_start3A_71 = tpu.memref_slice %arg7[%dma_start3A_68, %dma_start3A_69, %dma_start3A_70] : memref<4x128x128xf32, #tpu.memory_space<vmem>> -> memref<1x128x128xf32, #tpu.memory_space<vmem>>
    %dma_start3A_72 = tpu.memref_squeeze %dma_start3A_71 : memref<1x128x128xf32, #tpu.memory_space<vmem>> -> memref<128x128xf32, #tpu.memory_space<vmem>>
    %dma_start3A_73 = arith.constant 0 : i32
    %dma_start3A_74 = tpu.memref_slice %arg6[%dma_start3A_67, %dma_start3A_73] : memref<4x128xi32, #tpu.memory_space<vmem>> -> memref<1x128xi32, #tpu.memory_space<vmem>>
    %dma_start3A_75 = tpu.memref_squeeze %dma_start3A_74 : memref<1x128xi32, #tpu.memory_space<vmem>> -> memref<128xi32, #tpu.memory_space<vmem>>
    %dma_start3A_76 = arith.constant 0 : i32
    %dma_start3A_77 = arith.constant 0 : i32
    %dma_start3A_78 = tpu.memref_slice %arg5[%dma_start3A_76, %dma_start3A_77] : memref<21x128xf32, #tpu.memory_space<vmem_shared>> -> memref<21x128xf32, #tpu.memory_space<vmem_shared>>
    tpu.enqueue_indirect_dma source(%dma_start3A_78 : memref<21x128xf32, #tpu.memory_space<vmem_shared>>) target(%dma_start3A_72 : memref<128x128xf32, #tpu.memory_space<vmem>>) offsets(%dma_start3A_75 : memref<128xi32, #tpu.memory_space<vmem>>) semaphore(%arg11 : memref<!tpu.dma_semaphore, #tpu.memory_space<semaphore_mem>>)
    %scan3A = arith.constant 0 : i32
    %scan3A_79 = arith.constant 0 : i32
    %scan3A_80 = arith.constant 7 : i32
    %scan3A_81 = arith.addi %scan3A_79, %scan3A_80 : i32
    %scan3A_82 = arith.constant 1 : i32
    scf.for %scan3A_84 = %scan3A_79 to %scan3A_81 step %scan3A_82  : i32 {
      %mul3A_85 = arith.constant 4 : i32
      %mul3A_86 = arith.muli %mul3A_85, %scan3A_84 : i32
      %add3A_87 = arith.constant 0 : i32
      %add3A_88 = arith.addi %mul3A_86, %add3A_87 : i32
      %mul3A_89 = arith.constant 32 : i32
      %mul3A_90 = arith.muli %mul3A_89, %add3A_88 : i32
      %add3A_91 = arith.addi %add3A, %mul3A_90 : i32
      %lt3A = arith.constant 782 : i32
      %lt3A_92 = arith.cmpi slt, %add3A_91, %lt3A : i32
      %convert_element_type3A_93 = arith.extui %lt3A_92 : i1 to i32
      %cond3A_94 = arith.constant 0 : i32
      %cond3A_95 = arith.cmpi ne, %convert_element_type3A_93, %cond3A_94 : i32
      scf.if %cond3A_95 {
        %dma_wait3A = arith.constant 0 : i32
        %dma_wait3A_220 = arith.constant 0 : i32
        %dma_wait3A_221 = arith.constant 0 : i32
        %dma_wait3A_222 = arith.constant 0 : i32
        %dma_wait3A_223 = tpu.memref_slice %arg7[%dma_wait3A_220, %dma_wait3A_221, %dma_wait3A_222] : memref<4x128x128xf32, #tpu.memory_space<vmem>> -> memref<1x128x128xf32, #tpu.memory_space<vmem>>
        %dma_wait3A_224 = tpu.memref_squeeze %dma_wait3A_223 : memref<1x128x128xf32, #tpu.memory_space<vmem>> -> memref<128x128xf32, #tpu.memory_space<vmem>>
        %dma_wait3A_225 = arith.constant 0 : i32
        %dma_wait3A_226 = tpu.memref_slice %arg6[%dma_wait3A, %dma_wait3A_225] : memref<4x128xi32, #tpu.memory_space<vmem>> -> memref<1x128xi32, #tpu.memory_space<vmem>>
        %dma_wait3A_227 = tpu.memref_squeeze %dma_wait3A_226 : memref<1x128xi32, #tpu.memory_space<vmem>> -> memref<128xi32, #tpu.memory_space<vmem>>
        %dma_wait3A_228 = arith.constant 0 : i32
        %dma_wait3A_229 = arith.constant 0 : i32
        %dma_wait3A_230 = tpu.memref_slice %arg5[%dma_wait3A_228, %dma_wait3A_229] : memref<21x128xf32, #tpu.memory_space<vmem_shared>> -> memref<21x128xf32, #tpu.memory_space<vmem_shared>>
        tpu.wait_indirect_dma semaphore(%arg8 : memref<!tpu.dma_semaphore, #tpu.memory_space<semaphore_mem>>) src(%dma_wait3A_230 : memref<21x128xf32, #tpu.memory_space<vmem_shared>>) dst(%dma_wait3A_224 : memref<128x128xf32, #tpu.memory_space<vmem>>)
        %mul3A_231 = arith.constant 32 : i32
        %mul3A_232 = arith.muli %mul3A_231, %add3A_88 : i32
        %add3A_233 = arith.addi %add3A, %mul3A_232 : i32
        %mul3A_234 = arith.constant 128 : i32
        %mul3A_235 = arith.muli %add3A_233, %mul3A_234 : i32
        %min3A_236 = arith.constant 99872 : i32
        %min3A_237 = arith.minsi %mul3A_235, %min3A_236 : i32
        %multiple_of3A_238 = tpu.assume_multiple %min3A_237, 8 : i32
        %dma_start3A_239 = arith.constant 0 : i32
        %dma_start3A_240 = arith.constant 0 : i32
        %dma_start3A_241 = arith.constant 0 : i32
        %dma_start3A_242 = tpu.memref_slice %arg7[%dma_start3A_239, %dma_start3A_240, %dma_start3A_241] : memref<4x128x128xf32, #tpu.memory_space<vmem>> -> memref<1x128x128xf32, #tpu.memory_space<vmem>>
        %dma_start3A_243 = tpu.memref_squeeze %dma_start3A_242 : memref<1x128x128xf32, #tpu.memory_space<vmem>> -> memref<128x128xf32, #tpu.memory_space<vmem>>
        %dma_start3A_244 = arith.constant 0 : i32
        %dma_start3A_245 = tpu.memref_slice %arg4[%multiple_of3A_238, %dma_start3A_244] : memref<100000x128xf32, #tpu.memory_space<hbm>> -> memref<128x128xf32, #tpu.memory_space<hbm>>
        %dma_start3A_246 = arith.constant 0 : i32
        %dma_start3A_247 = tpu.memref_slice %arg4[%multiple_of3A_238, %dma_start3A_246] : memref<100000x128xf32, #tpu.memory_space<hbm>> -> memref<128x128xf32, #tpu.memory_space<hbm>>
        %dma_start3A_248 = arith.constant 0 : i32
        %dma_start3A_249 = arith.constant 0 : i32
        %dma_start3A_250 = tpu.memref_slice %arg7[%dma_start3A_239, %dma_start3A_248, %dma_start3A_249] : memref<4x128x128xf32, #tpu.memory_space<vmem>> -> memref<1x128x128xf32, #tpu.memory_space<vmem>>
        %dma_start3A_251 = tpu.memref_squeeze %dma_start3A_250 : memref<1x128x128xf32, #tpu.memory_space<vmem>> -> memref<128x128xf32, #tpu.memory_space<vmem>>
        tpu.enqueue_dma source(%dma_start3A_251 : memref<128x128xf32, #tpu.memory_space<vmem>>) target(%dma_start3A_247 : memref<128x128xf32, #tpu.memory_space<hbm>>) target_semaphore(%arg12 : memref<!tpu.dma_semaphore, #tpu.memory_space<semaphore_mem>>)
      } else {
      }
      %mul3A_96 = arith.constant 4 : i32
      %mul3A_97 = arith.muli %mul3A_96, %scan3A_84 : i32
      %add3A_98 = arith.constant 1 : i32
      %add3A_99 = arith.addi %mul3A_97, %add3A_98 : i32
      %mul3A_100 = arith.constant 32 : i32
      %mul3A_101 = arith.muli %mul3A_100, %add3A_99 : i32
      %add3A_102 = arith.addi %add3A, %mul3A_101 : i32
      %lt3A_103 = arith.constant 782 : i32
      %lt3A_104 = arith.cmpi slt, %add3A_102, %lt3A_103 : i32
      %convert_element_type3A_105 = arith.extui %lt3A_104 : i1 to i32
      %cond3A_106 = arith.constant 0 : i32
      %cond3A_107 = arith.cmpi ne, %convert_element_type3A_105, %cond3A_106 : i32
      scf.if %cond3A_107 {
        %dma_wait3A = arith.constant 1 : i32
        %dma_wait3A_220 = arith.constant 1 : i32
        %dma_wait3A_221 = arith.constant 0 : i32
        %dma_wait3A_222 = arith.constant 0 : i32
        %dma_wait3A_223 = tpu.memref_slice %arg7[%dma_wait3A_220, %dma_wait3A_221, %dma_wait3A_222] : memref<4x128x128xf32, #tpu.memory_space<vmem>> -> memref<1x128x128xf32, #tpu.memory_space<vmem>>
        %dma_wait3A_224 = tpu.memref_squeeze %dma_wait3A_223 : memref<1x128x128xf32, #tpu.memory_space<vmem>> -> memref<128x128xf32, #tpu.memory_space<vmem>>
        %dma_wait3A_225 = arith.constant 0 : i32
        %dma_wait3A_226 = tpu.memref_slice %arg6[%dma_wait3A, %dma_wait3A_225] : memref<4x128xi32, #tpu.memory_space<vmem>> -> memref<1x128xi32, #tpu.memory_space<vmem>>
        %dma_wait3A_227 = tpu.memref_squeeze %dma_wait3A_226 : memref<1x128xi32, #tpu.memory_space<vmem>> -> memref<128xi32, #tpu.memory_space<vmem>>
        %dma_wait3A_228 = arith.constant 0 : i32
        %dma_wait3A_229 = arith.constant 0 : i32
        %dma_wait3A_230 = tpu.memref_slice %arg5[%dma_wait3A_228, %dma_wait3A_229] : memref<21x128xf32, #tpu.memory_space<vmem_shared>> -> memref<21x128xf32, #tpu.memory_space<vmem_shared>>
        tpu.wait_indirect_dma semaphore(%arg9 : memref<!tpu.dma_semaphore, #tpu.memory_space<semaphore_mem>>) src(%dma_wait3A_230 : memref<21x128xf32, #tpu.memory_space<vmem_shared>>) dst(%dma_wait3A_224 : memref<128x128xf32, #tpu.memory_space<vmem>>)
        %mul3A_231 = arith.constant 32 : i32
        %mul3A_232 = arith.muli %mul3A_231, %add3A_99 : i32
        %add3A_233 = arith.addi %add3A, %mul3A_232 : i32
        %mul3A_234 = arith.constant 128 : i32
        %mul3A_235 = arith.muli %add3A_233, %mul3A_234 : i32
        %min3A_236 = arith.constant 99872 : i32
        %min3A_237 = arith.minsi %mul3A_235, %min3A_236 : i32
        %multiple_of3A_238 = tpu.assume_multiple %min3A_237, 8 : i32
        %dma_start3A_239 = arith.constant 1 : i32
        %dma_start3A_240 = arith.constant 0 : i32
        %dma_start3A_241 = arith.constant 0 : i32
        %dma_start3A_242 = tpu.memref_slice %arg7[%dma_start3A_239, %dma_start3A_240, %dma_start3A_241] : memref<4x128x128xf32, #tpu.memory_space<vmem>> -> memref<1x128x128xf32, #tpu.memory_space<vmem>>
        %dma_start3A_243 = tpu.memref_squeeze %dma_start3A_242 : memref<1x128x128xf32, #tpu.memory_space<vmem>> -> memref<128x128xf32, #tpu.memory_space<vmem>>
        %dma_start3A_244 = arith.constant 0 : i32
        %dma_start3A_245 = tpu.memref_slice %arg4[%multiple_of3A_238, %dma_start3A_244] : memref<100000x128xf32, #tpu.memory_space<hbm>> -> memref<128x128xf32, #tpu.memory_space<hbm>>
        %dma_start3A_246 = arith.constant 0 : i32
        %dma_start3A_247 = tpu.memref_slice %arg4[%multiple_of3A_238, %dma_start3A_246] : memref<100000x128xf32, #tpu.memory_space<hbm>> -> memref<128x128xf32, #tpu.memory_space<hbm>>
        %dma_start3A_248 = arith.constant 0 : i32
        %dma_start3A_249 = arith.constant 0 : i32
        %dma_start3A_250 = tpu.memref_slice %arg7[%dma_start3A_239, %dma_start3A_248, %dma_start3A_249] : memref<4x128x128xf32, #tpu.memory_space<vmem>> -> memref<1x128x128xf32, #tpu.memory_space<vmem>>
        %dma_start3A_251 = tpu.memref_squeeze %dma_start3A_250 : memref<1x128x128xf32, #tpu.memory_space<vmem>> -> memref<128x128xf32, #tpu.memory_space<vmem>>
        tpu.enqueue_dma source(%dma_start3A_251 : memref<128x128xf32, #tpu.memory_space<vmem>>) target(%dma_start3A_247 : memref<128x128xf32, #tpu.memory_space<hbm>>) target_semaphore(%arg13 : memref<!tpu.dma_semaphore, #tpu.memory_space<semaphore_mem>>)
      } else {
      }
      %mul3A_108 = arith.constant 4 : i32
      %mul3A_109 = arith.muli %mul3A_108, %scan3A_84 : i32
      %add3A_110 = arith.constant 2 : i32
      %add3A_111 = arith.addi %mul3A_109, %add3A_110 : i32
      %mul3A_112 = arith.constant 32 : i32
      %mul3A_113 = arith.muli %mul3A_112, %add3A_111 : i32
      %add3A_114 = arith.addi %add3A, %mul3A_113 : i32
      %lt3A_115 = arith.constant 782 : i32
      %lt3A_116 = arith.cmpi slt, %add3A_114, %lt3A_115 : i32
      %convert_element_type3A_117 = arith.extui %lt3A_116 : i1 to i32
      %cond3A_118 = arith.constant 0 : i32
      %cond3A_119 = arith.cmpi ne, %convert_element_type3A_117, %cond3A_118 : i32
      scf.if %cond3A_119 {
        %dma_wait3A = arith.constant 2 : i32
        %dma_wait3A_220 = arith.constant 2 : i32
        %dma_wait3A_221 = arith.constant 0 : i32
        %dma_wait3A_222 = arith.constant 0 : i32
        %dma_wait3A_223 = tpu.memref_slice %arg7[%dma_wait3A_220, %dma_wait3A_221, %dma_wait3A_222] : memref<4x128x128xf32, #tpu.memory_space<vmem>> -> memref<1x128x128xf32, #tpu.memory_space<vmem>>
        %dma_wait3A_224 = tpu.memref_squeeze %dma_wait3A_223 : memref<1x128x128xf32, #tpu.memory_space<vmem>> -> memref<128x128xf32, #tpu.memory_space<vmem>>
        %dma_wait3A_225 = arith.constant 0 : i32
        %dma_wait3A_226 = tpu.memref_slice %arg6[%dma_wait3A, %dma_wait3A_225] : memref<4x128xi32, #tpu.memory_space<vmem>> -> memref<1x128xi32, #tpu.memory_space<vmem>>
        %dma_wait3A_227 = tpu.memref_squeeze %dma_wait3A_226 : memref<1x128xi32, #tpu.memory_space<vmem>> -> memref<128xi32, #tpu.memory_space<vmem>>
        %dma_wait3A_228 = arith.constant 0 : i32
        %dma_wait3A_229 = arith.constant 0 : i32
        %dma_wait3A_230 = tpu.memref_slice %arg5[%dma_wait3A_228, %dma_wait3A_229] : memref<21x128xf32, #tpu.memory_space<vmem_shared>> -> memref<21x128xf32, #tpu.memory_space<vmem_shared>>
        tpu.wait_indirect_dma semaphore(%arg10 : memref<!tpu.dma_semaphore, #tpu.memory_space<semaphore_mem>>) src(%dma_wait3A_230 : memref<21x128xf32, #tpu.memory_space<vmem_shared>>) dst(%dma_wait3A_224 : memref<128x128xf32, #tpu.memory_space<vmem>>)
        %mul3A_231 = arith.constant 32 : i32
        %mul3A_232 = arith.muli %mul3A_231, %add3A_111 : i32
        %add3A_233 = arith.addi %add3A, %mul3A_232 : i32
        %mul3A_234 = arith.constant 128 : i32
        %mul3A_235 = arith.muli %add3A_233, %mul3A_234 : i32
        %min3A_236 = arith.constant 99872 : i32
        %min3A_237 = arith.minsi %mul3A_235, %min3A_236 : i32
        %multiple_of3A_238 = tpu.assume_multiple %min3A_237, 8 : i32
        %dma_start3A_239 = arith.constant 2 : i32
        %dma_start3A_240 = arith.constant 0 : i32
        %dma_start3A_241 = arith.constant 0 : i32
        %dma_start3A_242 = tpu.memref_slice %arg7[%dma_start3A_239, %dma_start3A_240, %dma_start3A_241] : memref<4x128x128xf32, #tpu.memory_space<vmem>> -> memref<1x128x128xf32, #tpu.memory_space<vmem>>
        %dma_start3A_243 = tpu.memref_squeeze %dma_start3A_242 : memref<1x128x128xf32, #tpu.memory_space<vmem>> -> memref<128x128xf32, #tpu.memory_space<vmem>>
        %dma_start3A_244 = arith.constant 0 : i32
        %dma_start3A_245 = tpu.memref_slice %arg4[%multiple_of3A_238, %dma_start3A_244] : memref<100000x128xf32, #tpu.memory_space<hbm>> -> memref<128x128xf32, #tpu.memory_space<hbm>>
        %dma_start3A_246 = arith.constant 0 : i32
        %dma_start3A_247 = tpu.memref_slice %arg4[%multiple_of3A_238, %dma_start3A_246] : memref<100000x128xf32, #tpu.memory_space<hbm>> -> memref<128x128xf32, #tpu.memory_space<hbm>>
        %dma_start3A_248 = arith.constant 0 : i32
        %dma_start3A_249 = arith.constant 0 : i32
        %dma_start3A_250 = tpu.memref_slice %arg7[%dma_start3A_239, %dma_start3A_248, %dma_start3A_249] : memref<4x128x128xf32, #tpu.memory_space<vmem>> -> memref<1x128x128xf32, #tpu.memory_space<vmem>>
        %dma_start3A_251 = tpu.memref_squeeze %dma_start3A_250 : memref<1x128x128xf32, #tpu.memory_space<vmem>> -> memref<128x128xf32, #tpu.memory_space<vmem>>
        tpu.enqueue_dma source(%dma_start3A_251 : memref<128x128xf32, #tpu.memory_space<vmem>>) target(%dma_start3A_247 : memref<128x128xf32, #tpu.memory_space<hbm>>) target_semaphore(%arg14 : memref<!tpu.dma_semaphore, #tpu.memory_space<semaphore_mem>>)
      } else {
      }
      %mul3A_120 = arith.constant 4 : i32
      %mul3A_121 = arith.muli %mul3A_120, %scan3A_84 : i32
      %add3A_122 = arith.constant 3 : i32
      %add3A_123 = arith.addi %mul3A_121, %add3A_122 : i32
      %mul3A_124 = arith.constant 32 : i32
      %mul3A_125 = arith.muli %mul3A_124, %add3A_123 : i32
      %add3A_126 = arith.addi %add3A, %mul3A_125 : i32
      %lt3A_127 = arith.constant 782 : i32
      %lt3A_128 = arith.cmpi slt, %add3A_126, %lt3A_127 : i32
      %convert_element_type3A_129 = arith.extui %lt3A_128 : i1 to i32
      %cond3A_130 = arith.constant 0 : i32
      %cond3A_131 = arith.cmpi ne, %convert_element_type3A_129, %cond3A_130 : i32
      scf.if %cond3A_131 {
        %dma_wait3A = arith.constant 3 : i32
        %dma_wait3A_220 = arith.constant 3 : i32
        %dma_wait3A_221 = arith.constant 0 : i32
        %dma_wait3A_222 = arith.constant 0 : i32
        %dma_wait3A_223 = tpu.memref_slice %arg7[%dma_wait3A_220, %dma_wait3A_221, %dma_wait3A_222] : memref<4x128x128xf32, #tpu.memory_space<vmem>> -> memref<1x128x128xf32, #tpu.memory_space<vmem>>
        %dma_wait3A_224 = tpu.memref_squeeze %dma_wait3A_223 : memref<1x128x128xf32, #tpu.memory_space<vmem>> -> memref<128x128xf32, #tpu.memory_space<vmem>>
        %dma_wait3A_225 = arith.constant 0 : i32
        %dma_wait3A_226 = tpu.memref_slice %arg6[%dma_wait3A, %dma_wait3A_225] : memref<4x128xi32, #tpu.memory_space<vmem>> -> memref<1x128xi32, #tpu.memory_space<vmem>>
        %dma_wait3A_227 = tpu.memref_squeeze %dma_wait3A_226 : memref<1x128xi32, #tpu.memory_space<vmem>> -> memref<128xi32, #tpu.memory_space<vmem>>
        %dma_wait3A_228 = arith.constant 0 : i32
        %dma_wait3A_229 = arith.constant 0 : i32
        %dma_wait3A_230 = tpu.memref_slice %arg5[%dma_wait3A_228, %dma_wait3A_229] : memref<21x128xf32, #tpu.memory_space<vmem_shared>> -> memref<21x128xf32, #tpu.memory_space<vmem_shared>>
        tpu.wait_indirect_dma semaphore(%arg11 : memref<!tpu.dma_semaphore, #tpu.memory_space<semaphore_mem>>) src(%dma_wait3A_230 : memref<21x128xf32, #tpu.memory_space<vmem_shared>>) dst(%dma_wait3A_224 : memref<128x128xf32, #tpu.memory_space<vmem>>)
        %mul3A_231 = arith.constant 32 : i32
        %mul3A_232 = arith.muli %mul3A_231, %add3A_123 : i32
        %add3A_233 = arith.addi %add3A, %mul3A_232 : i32
        %mul3A_234 = arith.constant 128 : i32
        %mul3A_235 = arith.muli %add3A_233, %mul3A_234 : i32
        %min3A_236 = arith.constant 99872 : i32
        %min3A_237 = arith.minsi %mul3A_235, %min3A_236 : i32
        %multiple_of3A_238 = tpu.assume_multiple %min3A_237, 8 : i32
        %dma_start3A_239 = arith.constant 3 : i32
        %dma_start3A_240 = arith.constant 0 : i32
        %dma_start3A_241 = arith.constant 0 : i32
        %dma_start3A_242 = tpu.memref_slice %arg7[%dma_start3A_239, %dma_start3A_240, %dma_start3A_241] : memref<4x128x128xf32, #tpu.memory_space<vmem>> -> memref<1x128x128xf32, #tpu.memory_space<vmem>>
        %dma_start3A_243 = tpu.memref_squeeze %dma_start3A_242 : memref<1x128x128xf32, #tpu.memory_space<vmem>> -> memref<128x128xf32, #tpu.memory_space<vmem>>
        %dma_start3A_244 = arith.constant 0 : i32
        %dma_start3A_245 = tpu.memref_slice %arg4[%multiple_of3A_238, %dma_start3A_244] : memref<100000x128xf32, #tpu.memory_space<hbm>> -> memref<128x128xf32, #tpu.memory_space<hbm>>
        %dma_start3A_246 = arith.constant 0 : i32
        %dma_start3A_247 = tpu.memref_slice %arg4[%multiple_of3A_238, %dma_start3A_246] : memref<100000x128xf32, #tpu.memory_space<hbm>> -> memref<128x128xf32, #tpu.memory_space<hbm>>
        %dma_start3A_248 = arith.constant 0 : i32
        %dma_start3A_249 = arith.constant 0 : i32
        %dma_start3A_250 = tpu.memref_slice %arg7[%dma_start3A_239, %dma_start3A_248, %dma_start3A_249] : memref<4x128x128xf32, #tpu.memory_space<vmem>> -> memref<1x128x128xf32, #tpu.memory_space<vmem>>
        %dma_start3A_251 = tpu.memref_squeeze %dma_start3A_250 : memref<1x128x128xf32, #tpu.memory_space<vmem>> -> memref<128x128xf32, #tpu.memory_space<vmem>>
        tpu.enqueue_dma source(%dma_start3A_251 : memref<128x128xf32, #tpu.memory_space<vmem>>) target(%dma_start3A_247 : memref<128x128xf32, #tpu.memory_space<hbm>>) target_semaphore(%arg15 : memref<!tpu.dma_semaphore, #tpu.memory_space<semaphore_mem>>)
      } else {
      }
      %mul3A_132 = arith.constant 4 : i32
      %mul3A_133 = arith.muli %mul3A_132, %scan3A_84 : i32
      %add3A_134 = arith.constant 0 : i32
      %add3A_135 = arith.addi %mul3A_133, %add3A_134 : i32
      %mul3A_136 = arith.constant 32 : i32
      %mul3A_137 = arith.muli %mul3A_136, %add3A_135 : i32
      %add3A_138 = arith.addi %add3A, %mul3A_137 : i32
      %lt3A_139 = arith.constant 782 : i32
      %lt3A_140 = arith.cmpi slt, %add3A_138, %lt3A_139 : i32
      %convert_element_type3A_141 = arith.extui %lt3A_140 : i1 to i32
      %cond3A_142 = arith.constant 0 : i32
      %cond3A_143 = arith.cmpi ne, %convert_element_type3A_141, %cond3A_142 : i32
      scf.if %cond3A_143 {
        %dma_wait3A = arith.constant 0 : i32
        %dma_wait3A_220 = arith.constant 0 : i32
        %dma_wait3A_221 = arith.constant 0 : i32
        %dma_wait3A_222 = tpu.memref_slice %arg7[%dma_wait3A, %dma_wait3A_220, %dma_wait3A_221] : memref<4x128x128xf32, #tpu.memory_space<vmem>> -> memref<1x128x128xf32, #tpu.memory_space<vmem>>
        %dma_wait3A_223 = tpu.memref_squeeze %dma_wait3A_222 : memref<1x128x128xf32, #tpu.memory_space<vmem>> -> memref<128x128xf32, #tpu.memory_space<vmem>>
        %dma_wait3A_224 = arith.constant 0 : i32
        %dma_wait3A_225 = arith.constant 0 : i32
        %dma_wait3A_226 = tpu.memref_slice %arg4[%dma_wait3A_224, %dma_wait3A_225] : memref<100000x128xf32, #tpu.memory_space<hbm>> -> memref<128x128xf32, #tpu.memory_space<hbm>>
        %dma_wait3A_227 = arith.constant 0 : i32
        %dma_wait3A_228 = arith.constant 0 : i32
        %dma_wait3A_229 = tpu.memref_slice %arg4[%dma_wait3A_227, %dma_wait3A_228] : memref<100000x128xf32, #tpu.memory_space<hbm>> -> memref<128x128xf32, #tpu.memory_space<hbm>>
        %dma_wait3A_230 = arith.constant 0 : i32
        %dma_wait3A_231 = arith.constant 0 : i32
        %dma_wait3A_232 = tpu.memref_slice %arg7[%dma_wait3A, %dma_wait3A_230, %dma_wait3A_231] : memref<4x128x128xf32, #tpu.memory_space<vmem>> -> memref<1x128x128xf32, #tpu.memory_space<vmem>>
        %dma_wait3A_233 = tpu.memref_squeeze %dma_wait3A_232 : memref<1x128x128xf32, #tpu.memory_space<vmem>> -> memref<128x128xf32, #tpu.memory_space<vmem>>
        tpu.wait_dma2 semaphore(%arg12 : memref<!tpu.dma_semaphore, #tpu.memory_space<semaphore_mem>>) src(%dma_wait3A_233 : memref<128x128xf32, #tpu.memory_space<vmem>>) dst(%dma_wait3A_229 : memref<128x128xf32, #tpu.memory_space<hbm>>)
      } else {
      }
      %add3A_144 = arith.constant 4 : i32
      %add3A_145 = arith.addi %add3A_135, %add3A_144 : i32
      %mul3A_146 = arith.constant 32 : i32
      %mul3A_147 = arith.muli %mul3A_146, %add3A_145 : i32
      %add3A_148 = arith.addi %add3A, %mul3A_147 : i32
      %lt3A_149 = arith.constant 782 : i32
      %lt3A_150 = arith.cmpi slt, %add3A_148, %lt3A_149 : i32
      %convert_element_type3A_151 = arith.extui %lt3A_150 : i1 to i32
      %cond3A_152 = arith.constant 0 : i32
      %cond3A_153 = arith.cmpi ne, %convert_element_type3A_151, %cond3A_152 : i32
      scf.if %cond3A_153 {
        %add3A_220 = arith.constant 4 : i32
        %add3A_221 = arith.addi %add3A_135, %add3A_220 : i32
        %mul3A_222 = arith.constant 32 : i32
        %mul3A_223 = arith.muli %mul3A_222, %add3A_221 : i32
        %add3A_224 = arith.addi %add3A, %mul3A_223 : i32
        %mul3A_225 = arith.constant 128 : i32
        %mul3A_226 = arith.muli %add3A_224, %mul3A_225 : i32
        %min3A_227 = arith.constant 99872 : i32
        %min3A_228 = arith.minsi %mul3A_226, %min3A_227 : i32
        %multiple_of3A_229 = tpu.assume_multiple %min3A_228, 8 : i32
        %run_scoped3A_230 = arith.constant 0 : i32
        "tpu.region"() ({
          %run_scoped3A_243 = tpu.sem_alloc : memref<!tpu.dma_semaphore, #tpu.memory_space<semaphore_mem>>
          %dma_start3A_244 = arith.constant 0 : i32
          %dma_start3A_245 = tpu.memref_slice %arg6[%run_scoped3A_230, %dma_start3A_244] : memref<4x128xi32, #tpu.memory_space<vmem>> -> memref<1x128xi32, #tpu.memory_space<vmem>>
          %dma_start3A_246 = tpu.memref_squeeze %dma_start3A_245 : memref<1x128xi32, #tpu.memory_space<vmem>> -> memref<128xi32, #tpu.memory_space<vmem>>
          %dma_start3A_247 = tpu.memref_slice %arg3[%multiple_of3A_229] : memref<100000xi32, #tpu.memory_space<hbm>> -> memref<128xi32, #tpu.memory_space<hbm>>
          %dma_start3A_248 = arith.constant 0 : i32
          %dma_start3A_249 = tpu.memref_slice %arg6[%run_scoped3A_230, %dma_start3A_248] : memref<4x128xi32, #tpu.memory_space<vmem>> -> memref<1x128xi32, #tpu.memory_space<vmem>>
          %dma_start3A_250 = tpu.memref_squeeze %dma_start3A_249 : memref<1x128xi32, #tpu.memory_space<vmem>> -> memref<128xi32, #tpu.memory_space<vmem>>
          %dma_start3A_251 = tpu.memref_slice %arg3[%multiple_of3A_229] : memref<100000xi32, #tpu.memory_space<hbm>> -> memref<128xi32, #tpu.memory_space<hbm>>
          tpu.enqueue_dma source(%dma_start3A_251 : memref<128xi32, #tpu.memory_space<hbm>>) target(%dma_start3A_250 : memref<128xi32, #tpu.memory_space<vmem>>) target_semaphore(%run_scoped3A_243 : memref<!tpu.dma_semaphore, #tpu.memory_space<semaphore_mem>>)
          %dma_wait3A = arith.constant 0 : i32
          %dma_wait3A_252 = tpu.memref_slice %arg6[%run_scoped3A_230, %dma_wait3A] : memref<4x128xi32, #tpu.memory_space<vmem>> -> memref<1x128xi32, #tpu.memory_space<vmem>>
          %dma_wait3A_253 = tpu.memref_squeeze %dma_wait3A_252 : memref<1x128xi32, #tpu.memory_space<vmem>> -> memref<128xi32, #tpu.memory_space<vmem>>
          %dma_wait3A_254 = tpu.memref_slice %arg3[%multiple_of3A_229] : memref<100000xi32, #tpu.memory_space<hbm>> -> memref<128xi32, #tpu.memory_space<hbm>>
          %dma_wait3A_255 = arith.constant 0 : i32
          %dma_wait3A_256 = tpu.memref_slice %arg6[%run_scoped3A_230, %dma_wait3A_255] : memref<4x128xi32, #tpu.memory_space<vmem>> -> memref<1x128xi32, #tpu.memory_space<vmem>>
          %dma_wait3A_257 = tpu.memref_squeeze %dma_wait3A_256 : memref<1x128xi32, #tpu.memory_space<vmem>> -> memref<128xi32, #tpu.memory_space<vmem>>
          %dma_wait3A_258 = tpu.memref_slice %arg3[%multiple_of3A_229] : memref<100000xi32, #tpu.memory_space<hbm>> -> memref<128xi32, #tpu.memory_space<hbm>>
          tpu.wait_dma2 semaphore(%run_scoped3A_243 : memref<!tpu.dma_semaphore, #tpu.memory_space<semaphore_mem>>) src(%dma_wait3A_258 : memref<128xi32, #tpu.memory_space<hbm>>) dst(%dma_wait3A_257 : memref<128xi32, #tpu.memory_space<vmem>>)
          tpu.yield
        }) : () -> ()
        %dma_start3A_231 = arith.constant 0 : i32
        %dma_start3A_232 = arith.constant 0 : i32
        %dma_start3A_233 = arith.constant 0 : i32
        %dma_start3A_234 = arith.constant 0 : i32
        %dma_start3A_235 = tpu.memref_slice %arg7[%dma_start3A_232, %dma_start3A_233, %dma_start3A_234] : memref<4x128x128xf32, #tpu.memory_space<vmem>> -> memref<1x128x128xf32, #tpu.memory_space<vmem>>
        %dma_start3A_236 = tpu.memref_squeeze %dma_start3A_235 : memref<1x128x128xf32, #tpu.memory_space<vmem>> -> memref<128x128xf32, #tpu.memory_space<vmem>>
        %dma_start3A_237 = arith.constant 0 : i32
        %dma_start3A_238 = tpu.memref_slice %arg6[%dma_start3A_231, %dma_start3A_237] : memref<4x128xi32, #tpu.memory_space<vmem>> -> memref<1x128xi32, #tpu.memory_space<vmem>>
        %dma_start3A_239 = tpu.memref_squeeze %dma_start3A_238 : memref<1x128xi32, #tpu.memory_space<vmem>> -> memref<128xi32, #tpu.memory_space<vmem>>
        %dma_start3A_240 = arith.constant 0 : i32
        %dma_start3A_241 = arith.constant 0 : i32
        %dma_start3A_242 = tpu.memref_slice %arg5[%dma_start3A_240, %dma_start3A_241] : memref<21x128xf32, #tpu.memory_space<vmem_shared>> -> memref<21x128xf32, #tpu.memory_space<vmem_shared>>
        tpu.enqueue_indirect_dma source(%dma_start3A_242 : memref<21x128xf32, #tpu.memory_space<vmem_shared>>) target(%dma_start3A_236 : memref<128x128xf32, #tpu.memory_space<vmem>>) offsets(%dma_start3A_239 : memref<128xi32, #tpu.memory_space<vmem>>) semaphore(%arg8 : memref<!tpu.dma_semaphore, #tpu.memory_space<semaphore_mem>>)
      } else {
      }
      %mul3A_154 = arith.constant 4 : i32
      %mul3A_155 = arith.muli %mul3A_154, %scan3A_84 : i32
      %add3A_156 = arith.constant 1 : i32
      %add3A_157 = arith.addi %mul3A_155, %add3A_156 : i32
      %mul3A_158 = arith.constant 32 : i32
      %mul3A_159 = arith.muli %mul3A_158, %add3A_157 : i32
      %add3A_160 = arith.addi %add3A, %mul3A_159 : i32
      %lt3A_161 = arith.constant 782 : i32
      %lt3A_162 = arith.cmpi slt, %add3A_160, %lt3A_161 : i32
      %convert_element_type3A_163 = arith.extui %lt3A_162 : i1 to i32
      %cond3A_164 = arith.constant 0 : i32
      %cond3A_165 = arith.cmpi ne, %convert_element_type3A_163, %cond3A_164 : i32
      scf.if %cond3A_165 {
        %dma_wait3A = arith.constant 1 : i32
        %dma_wait3A_220 = arith.constant 0 : i32
        %dma_wait3A_221 = arith.constant 0 : i32
        %dma_wait3A_222 = tpu.memref_slice %arg7[%dma_wait3A, %dma_wait3A_220, %dma_wait3A_221] : memref<4x128x128xf32, #tpu.memory_space<vmem>> -> memref<1x128x128xf32, #tpu.memory_space<vmem>>
        %dma_wait3A_223 = tpu.memref_squeeze %dma_wait3A_222 : memref<1x128x128xf32, #tpu.memory_space<vmem>> -> memref<128x128xf32, #tpu.memory_space<vmem>>
        %dma_wait3A_224 = arith.constant 0 : i32
        %dma_wait3A_225 = arith.constant 0 : i32
        %dma_wait3A_226 = tpu.memref_slice %arg4[%dma_wait3A_224, %dma_wait3A_225] : memref<100000x128xf32, #tpu.memory_space<hbm>> -> memref<128x128xf32, #tpu.memory_space<hbm>>
        %dma_wait3A_227 = arith.constant 0 : i32
        %dma_wait3A_228 = arith.constant 0 : i32
        %dma_wait3A_229 = tpu.memref_slice %arg4[%dma_wait3A_227, %dma_wait3A_228] : memref<100000x128xf32, #tpu.memory_space<hbm>> -> memref<128x128xf32, #tpu.memory_space<hbm>>
        %dma_wait3A_230 = arith.constant 0 : i32
        %dma_wait3A_231 = arith.constant 0 : i32
        %dma_wait3A_232 = tpu.memref_slice %arg7[%dma_wait3A, %dma_wait3A_230, %dma_wait3A_231] : memref<4x128x128xf32, #tpu.memory_space<vmem>> -> memref<1x128x128xf32, #tpu.memory_space<vmem>>
        %dma_wait3A_233 = tpu.memref_squeeze %dma_wait3A_232 : memref<1x128x128xf32, #tpu.memory_space<vmem>> -> memref<128x128xf32, #tpu.memory_space<vmem>>
        tpu.wait_dma2 semaphore(%arg13 : memref<!tpu.dma_semaphore, #tpu.memory_space<semaphore_mem>>) src(%dma_wait3A_233 : memref<128x128xf32, #tpu.memory_space<vmem>>) dst(%dma_wait3A_229 : memref<128x128xf32, #tpu.memory_space<hbm>>)
      } else {
      }
      %add3A_166 = arith.constant 4 : i32
      %add3A_167 = arith.addi %add3A_157, %add3A_166 : i32
      %mul3A_168 = arith.constant 32 : i32
      %mul3A_169 = arith.muli %mul3A_168, %add3A_167 : i32
      %add3A_170 = arith.addi %add3A, %mul3A_169 : i32
      %lt3A_171 = arith.constant 782 : i32
      %lt3A_172 = arith.cmpi slt, %add3A_170, %lt3A_171 : i32
      %convert_element_type3A_173 = arith.extui %lt3A_172 : i1 to i32
      %cond3A_174 = arith.constant 0 : i32
      %cond3A_175 = arith.cmpi ne, %convert_element_type3A_173, %cond3A_174 : i32
      scf.if %cond3A_175 {
        %add3A_220 = arith.constant 4 : i32
        %add3A_221 = arith.addi %add3A_157, %add3A_220 : i32
        %mul3A_222 = arith.constant 32 : i32
        %mul3A_223 = arith.muli %mul3A_222, %add3A_221 : i32
        %add3A_224 = arith.addi %add3A, %mul3A_223 : i32
        %mul3A_225 = arith.constant 128 : i32
        %mul3A_226 = arith.muli %add3A_224, %mul3A_225 : i32
        %min3A_227 = arith.constant 99872 : i32
        %min3A_228 = arith.minsi %mul3A_226, %min3A_227 : i32
        %multiple_of3A_229 = tpu.assume_multiple %min3A_228, 8 : i32
        %run_scoped3A_230 = arith.constant 1 : i32
        "tpu.region"() ({
          %run_scoped3A_243 = tpu.sem_alloc : memref<!tpu.dma_semaphore, #tpu.memory_space<semaphore_mem>>
          %dma_start3A_244 = arith.constant 0 : i32
          %dma_start3A_245 = tpu.memref_slice %arg6[%run_scoped3A_230, %dma_start3A_244] : memref<4x128xi32, #tpu.memory_space<vmem>> -> memref<1x128xi32, #tpu.memory_space<vmem>>
          %dma_start3A_246 = tpu.memref_squeeze %dma_start3A_245 : memref<1x128xi32, #tpu.memory_space<vmem>> -> memref<128xi32, #tpu.memory_space<vmem>>
          %dma_start3A_247 = tpu.memref_slice %arg3[%multiple_of3A_229] : memref<100000xi32, #tpu.memory_space<hbm>> -> memref<128xi32, #tpu.memory_space<hbm>>
          %dma_start3A_248 = arith.constant 0 : i32
          %dma_start3A_249 = tpu.memref_slice %arg6[%run_scoped3A_230, %dma_start3A_248] : memref<4x128xi32, #tpu.memory_space<vmem>> -> memref<1x128xi32, #tpu.memory_space<vmem>>
          %dma_start3A_250 = tpu.memref_squeeze %dma_start3A_249 : memref<1x128xi32, #tpu.memory_space<vmem>> -> memref<128xi32, #tpu.memory_space<vmem>>
          %dma_start3A_251 = tpu.memref_slice %arg3[%multiple_of3A_229] : memref<100000xi32, #tpu.memory_space<hbm>> -> memref<128xi32, #tpu.memory_space<hbm>>
          tpu.enqueue_dma source(%dma_start3A_251 : memref<128xi32, #tpu.memory_space<hbm>>) target(%dma_start3A_250 : memref<128xi32, #tpu.memory_space<vmem>>) target_semaphore(%run_scoped3A_243 : memref<!tpu.dma_semaphore, #tpu.memory_space<semaphore_mem>>)
          %dma_wait3A = arith.constant 0 : i32
          %dma_wait3A_252 = tpu.memref_slice %arg6[%run_scoped3A_230, %dma_wait3A] : memref<4x128xi32, #tpu.memory_space<vmem>> -> memref<1x128xi32, #tpu.memory_space<vmem>>
          %dma_wait3A_253 = tpu.memref_squeeze %dma_wait3A_252 : memref<1x128xi32, #tpu.memory_space<vmem>> -> memref<128xi32, #tpu.memory_space<vmem>>
          %dma_wait3A_254 = tpu.memref_slice %arg3[%multiple_of3A_229] : memref<100000xi32, #tpu.memory_space<hbm>> -> memref<128xi32, #tpu.memory_space<hbm>>
          %dma_wait3A_255 = arith.constant 0 : i32
          %dma_wait3A_256 = tpu.memref_slice %arg6[%run_scoped3A_230, %dma_wait3A_255] : memref<4x128xi32, #tpu.memory_space<vmem>> -> memref<1x128xi32, #tpu.memory_space<vmem>>
          %dma_wait3A_257 = tpu.memref_squeeze %dma_wait3A_256 : memref<1x128xi32, #tpu.memory_space<vmem>> -> memref<128xi32, #tpu.memory_space<vmem>>
          %dma_wait3A_258 = tpu.memref_slice %arg3[%multiple_of3A_229] : memref<100000xi32, #tpu.memory_space<hbm>> -> memref<128xi32, #tpu.memory_space<hbm>>
          tpu.wait_dma2 semaphore(%run_scoped3A_243 : memref<!tpu.dma_semaphore, #tpu.memory_space<semaphore_mem>>) src(%dma_wait3A_258 : memref<128xi32, #tpu.memory_space<hbm>>) dst(%dma_wait3A_257 : memref<128xi32, #tpu.memory_space<vmem>>)
          tpu.yield
        }) : () -> ()
        %dma_start3A_231 = arith.constant 1 : i32
        %dma_start3A_232 = arith.constant 1 : i32
        %dma_start3A_233 = arith.constant 0 : i32
        %dma_start3A_234 = arith.constant 0 : i32
        %dma_start3A_235 = tpu.memref_slice %arg7[%dma_start3A_232, %dma_start3A_233, %dma_start3A_234] : memref<4x128x128xf32, #tpu.memory_space<vmem>> -> memref<1x128x128xf32, #tpu.memory_space<vmem>>
        %dma_start3A_236 = tpu.memref_squeeze %dma_start3A_235 : memref<1x128x128xf32, #tpu.memory_space<vmem>> -> memref<128x128xf32, #tpu.memory_space<vmem>>
        %dma_start3A_237 = arith.constant 0 : i32
        %dma_start3A_238 = tpu.memref_slice %arg6[%dma_start3A_231, %dma_start3A_237] : memref<4x128xi32, #tpu.memory_space<vmem>> -> memref<1x128xi32, #tpu.memory_space<vmem>>
        %dma_start3A_239 = tpu.memref_squeeze %dma_start3A_238 : memref<1x128xi32, #tpu.memory_space<vmem>> -> memref<128xi32, #tpu.memory_space<vmem>>
        %dma_start3A_240 = arith.constant 0 : i32
        %dma_start3A_241 = arith.constant 0 : i32
        %dma_start3A_242 = tpu.memref_slice %arg5[%dma_start3A_240, %dma_start3A_241] : memref<21x128xf32, #tpu.memory_space<vmem_shared>> -> memref<21x128xf32, #tpu.memory_space<vmem_shared>>
        tpu.enqueue_indirect_dma source(%dma_start3A_242 : memref<21x128xf32, #tpu.memory_space<vmem_shared>>) target(%dma_start3A_236 : memref<128x128xf32, #tpu.memory_space<vmem>>) offsets(%dma_start3A_239 : memref<128xi32, #tpu.memory_space<vmem>>) semaphore(%arg9 : memref<!tpu.dma_semaphore, #tpu.memory_space<semaphore_mem>>)
      } else {
      }
      %mul3A_176 = arith.constant 4 : i32
      %mul3A_177 = arith.muli %mul3A_176, %scan3A_84 : i32
      %add3A_178 = arith.constant 2 : i32
      %add3A_179 = arith.addi %mul3A_177, %add3A_178 : i32
      %mul3A_180 = arith.constant 32 : i32
      %mul3A_181 = arith.muli %mul3A_180, %add3A_179 : i32
      %add3A_182 = arith.addi %add3A, %mul3A_181 : i32
      %lt3A_183 = arith.constant 782 : i32
      %lt3A_184 = arith.cmpi slt, %add3A_182, %lt3A_183 : i32
      %convert_element_type3A_185 = arith.extui %lt3A_184 : i1 to i32
      %cond3A_186 = arith.constant 0 : i32
      %cond3A_187 = arith.cmpi ne, %convert_element_type3A_185, %cond3A_186 : i32
      scf.if %cond3A_187 {
        %dma_wait3A = arith.constant 2 : i32
        %dma_wait3A_220 = arith.constant 0 : i32
        %dma_wait3A_221 = arith.constant 0 : i32
        %dma_wait3A_222 = tpu.memref_slice %arg7[%dma_wait3A, %dma_wait3A_220, %dma_wait3A_221] : memref<4x128x128xf32, #tpu.memory_space<vmem>> -> memref<1x128x128xf32, #tpu.memory_space<vmem>>
        %dma_wait3A_223 = tpu.memref_squeeze %dma_wait3A_222 : memref<1x128x128xf32, #tpu.memory_space<vmem>> -> memref<128x128xf32, #tpu.memory_space<vmem>>
        %dma_wait3A_224 = arith.constant 0 : i32
        %dma_wait3A_225 = arith.constant 0 : i32
        %dma_wait3A_226 = tpu.memref_slice %arg4[%dma_wait3A_224, %dma_wait3A_225] : memref<100000x128xf32, #tpu.memory_space<hbm>> -> memref<128x128xf32, #tpu.memory_space<hbm>>
        %dma_wait3A_227 = arith.constant 0 : i32
        %dma_wait3A_228 = arith.constant 0 : i32
        %dma_wait3A_229 = tpu.memref_slice %arg4[%dma_wait3A_227, %dma_wait3A_228] : memref<100000x128xf32, #tpu.memory_space<hbm>> -> memref<128x128xf32, #tpu.memory_space<hbm>>
        %dma_wait3A_230 = arith.constant 0 : i32
        %dma_wait3A_231 = arith.constant 0 : i32
        %dma_wait3A_232 = tpu.memref_slice %arg7[%dma_wait3A, %dma_wait3A_230, %dma_wait3A_231] : memref<4x128x128xf32, #tpu.memory_space<vmem>> -> memref<1x128x128xf32, #tpu.memory_space<vmem>>
        %dma_wait3A_233 = tpu.memref_squeeze %dma_wait3A_232 : memref<1x128x128xf32, #tpu.memory_space<vmem>> -> memref<128x128xf32, #tpu.memory_space<vmem>>
        tpu.wait_dma2 semaphore(%arg14 : memref<!tpu.dma_semaphore, #tpu.memory_space<semaphore_mem>>) src(%dma_wait3A_233 : memref<128x128xf32, #tpu.memory_space<vmem>>) dst(%dma_wait3A_229 : memref<128x128xf32, #tpu.memory_space<hbm>>)
      } else {
      }
      %add3A_188 = arith.constant 4 : i32
      %add3A_189 = arith.addi %add3A_179, %add3A_188 : i32
      %mul3A_190 = arith.constant 32 : i32
      %mul3A_191 = arith.muli %mul3A_190, %add3A_189 : i32
      %add3A_192 = arith.addi %add3A, %mul3A_191 : i32
      %lt3A_193 = arith.constant 782 : i32
      %lt3A_194 = arith.cmpi slt, %add3A_192, %lt3A_193 : i32
      %convert_element_type3A_195 = arith.extui %lt3A_194 : i1 to i32
      %cond3A_196 = arith.constant 0 : i32
      %cond3A_197 = arith.cmpi ne, %convert_element_type3A_195, %cond3A_196 : i32
      scf.if %cond3A_197 {
        %add3A_220 = arith.constant 4 : i32
        %add3A_221 = arith.addi %add3A_179, %add3A_220 : i32
        %mul3A_222 = arith.constant 32 : i32
        %mul3A_223 = arith.muli %mul3A_222, %add3A_221 : i32
        %add3A_224 = arith.addi %add3A, %mul3A_223 : i32
        %mul3A_225 = arith.constant 128 : i32
        %mul3A_226 = arith.muli %add3A_224, %mul3A_225 : i32
        %min3A_227 = arith.constant 99872 : i32
        %min3A_228 = arith.minsi %mul3A_226, %min3A_227 : i32
        %multiple_of3A_229 = tpu.assume_multiple %min3A_228, 8 : i32
        %run_scoped3A_230 = arith.constant 2 : i32
        "tpu.region"() ({
          %run_scoped3A_243 = tpu.sem_alloc : memref<!tpu.dma_semaphore, #tpu.memory_space<semaphore_mem>>
          %dma_start3A_244 = arith.constant 0 : i32
          %dma_start3A_245 = tpu.memref_slice %arg6[%run_scoped3A_230, %dma_start3A_244] : memref<4x128xi32, #tpu.memory_space<vmem>> -> memref<1x128xi32, #tpu.memory_space<vmem>>
          %dma_start3A_246 = tpu.memref_squeeze %dma_start3A_245 : memref<1x128xi32, #tpu.memory_space<vmem>> -> memref<128xi32, #tpu.memory_space<vmem>>
          %dma_start3A_247 = tpu.memref_slice %arg3[%multiple_of3A_229] : memref<100000xi32, #tpu.memory_space<hbm>> -> memref<128xi32, #tpu.memory_space<hbm>>
          %dma_start3A_248 = arith.constant 0 : i32
          %dma_start3A_249 = tpu.memref_slice %arg6[%run_scoped3A_230, %dma_start3A_248] : memref<4x128xi32, #tpu.memory_space<vmem>> -> memref<1x128xi32, #tpu.memory_space<vmem>>
          %dma_start3A_250 = tpu.memref_squeeze %dma_start3A_249 : memref<1x128xi32, #tpu.memory_space<vmem>> -> memref<128xi32, #tpu.memory_space<vmem>>
          %dma_start3A_251 = tpu.memref_slice %arg3[%multiple_of3A_229] : memref<100000xi32, #tpu.memory_space<hbm>> -> memref<128xi32, #tpu.memory_space<hbm>>
          tpu.enqueue_dma source(%dma_start3A_251 : memref<128xi32, #tpu.memory_space<hbm>>) target(%dma_start3A_250 : memref<128xi32, #tpu.memory_space<vmem>>) target_semaphore(%run_scoped3A_243 : memref<!tpu.dma_semaphore, #tpu.memory_space<semaphore_mem>>)
          %dma_wait3A = arith.constant 0 : i32
          %dma_wait3A_252 = tpu.memref_slice %arg6[%run_scoped3A_230, %dma_wait3A] : memref<4x128xi32, #tpu.memory_space<vmem>> -> memref<1x128xi32, #tpu.memory_space<vmem>>
          %dma_wait3A_253 = tpu.memref_squeeze %dma_wait3A_252 : memref<1x128xi32, #tpu.memory_space<vmem>> -> memref<128xi32, #tpu.memory_space<vmem>>
          %dma_wait3A_254 = tpu.memref_slice %arg3[%multiple_of3A_229] : memref<100000xi32, #tpu.memory_space<hbm>> -> memref<128xi32, #tpu.memory_space<hbm>>
          %dma_wait3A_255 = arith.constant 0 : i32
          %dma_wait3A_256 = tpu.memref_slice %arg6[%run_scoped3A_230, %dma_wait3A_255] : memref<4x128xi32, #tpu.memory_space<vmem>> -> memref<1x128xi32, #tpu.memory_space<vmem>>
          %dma_wait3A_257 = tpu.memref_squeeze %dma_wait3A_256 : memref<1x128xi32, #tpu.memory_space<vmem>> -> memref<128xi32, #tpu.memory_space<vmem>>
          %dma_wait3A_258 = tpu.memref_slice %arg3[%multiple_of3A_229] : memref<100000xi32, #tpu.memory_space<hbm>> -> memref<128xi32, #tpu.memory_space<hbm>>
          tpu.wait_dma2 semaphore(%run_scoped3A_243 : memref<!tpu.dma_semaphore, #tpu.memory_space<semaphore_mem>>) src(%dma_wait3A_258 : memref<128xi32, #tpu.memory_space<hbm>>) dst(%dma_wait3A_257 : memref<128xi32, #tpu.memory_space<vmem>>)
          tpu.yield
        }) : () -> ()
        %dma_start3A_231 = arith.constant 2 : i32
        %dma_start3A_232 = arith.constant 2 : i32
        %dma_start3A_233 = arith.constant 0 : i32
        %dma_start3A_234 = arith.constant 0 : i32
        %dma_start3A_235 = tpu.memref_slice %arg7[%dma_start3A_232, %dma_start3A_233, %dma_start3A_234] : memref<4x128x128xf32, #tpu.memory_space<vmem>> -> memref<1x128x128xf32, #tpu.memory_space<vmem>>
        %dma_start3A_236 = tpu.memref_squeeze %dma_start3A_235 : memref<1x128x128xf32, #tpu.memory_space<vmem>> -> memref<128x128xf32, #tpu.memory_space<vmem>>
        %dma_start3A_237 = arith.constant 0 : i32
        %dma_start3A_238 = tpu.memref_slice %arg6[%dma_start3A_231, %dma_start3A_237] : memref<4x128xi32, #tpu.memory_space<vmem>> -> memref<1x128xi32, #tpu.memory_space<vmem>>
        %dma_start3A_239 = tpu.memref_squeeze %dma_start3A_238 : memref<1x128xi32, #tpu.memory_space<vmem>> -> memref<128xi32, #tpu.memory_space<vmem>>
        %dma_start3A_240 = arith.constant 0 : i32
        %dma_start3A_241 = arith.constant 0 : i32
        %dma_start3A_242 = tpu.memref_slice %arg5[%dma_start3A_240, %dma_start3A_241] : memref<21x128xf32, #tpu.memory_space<vmem_shared>> -> memref<21x128xf32, #tpu.memory_space<vmem_shared>>
        tpu.enqueue_indirect_dma source(%dma_start3A_242 : memref<21x128xf32, #tpu.memory_space<vmem_shared>>) target(%dma_start3A_236 : memref<128x128xf32, #tpu.memory_space<vmem>>) offsets(%dma_start3A_239 : memref<128xi32, #tpu.memory_space<vmem>>) semaphore(%arg10 : memref<!tpu.dma_semaphore, #tpu.memory_space<semaphore_mem>>)
      } else {
      }
      %mul3A_198 = arith.constant 4 : i32
      %mul3A_199 = arith.muli %mul3A_198, %scan3A_84 : i32
      %add3A_200 = arith.constant 3 : i32
      %add3A_201 = arith.addi %mul3A_199, %add3A_200 : i32
      %mul3A_202 = arith.constant 32 : i32
      %mul3A_203 = arith.muli %mul3A_202, %add3A_201 : i32
      %add3A_204 = arith.addi %add3A, %mul3A_203 : i32
      %lt3A_205 = arith.constant 782 : i32
      %lt3A_206 = arith.cmpi slt, %add3A_204, %lt3A_205 : i32
      %convert_element_type3A_207 = arith.extui %lt3A_206 : i1 to i32
      %cond3A_208 = arith.constant 0 : i32
      %cond3A_209 = arith.cmpi ne, %convert_element_type3A_207, %cond3A_208 : i32
      scf.if %cond3A_209 {
        %dma_wait3A = arith.constant 3 : i32
        %dma_wait3A_220 = arith.constant 0 : i32
        %dma_wait3A_221 = arith.constant 0 : i32
        %dma_wait3A_222 = tpu.memref_slice %arg7[%dma_wait3A, %dma_wait3A_220, %dma_wait3A_221] : memref<4x128x128xf32, #tpu.memory_space<vmem>> -> memref<1x128x128xf32, #tpu.memory_space<vmem>>
        %dma_wait3A_223 = tpu.memref_squeeze %dma_wait3A_222 : memref<1x128x128xf32, #tpu.memory_space<vmem>> -> memref<128x128xf32, #tpu.memory_space<vmem>>
        %dma_wait3A_224 = arith.constant 0 : i32
        %dma_wait3A_225 = arith.constant 0 : i32
        %dma_wait3A_226 = tpu.memref_slice %arg4[%dma_wait3A_224, %dma_wait3A_225] : memref<100000x128xf32, #tpu.memory_space<hbm>> -> memref<128x128xf32, #tpu.memory_space<hbm>>
        %dma_wait3A_227 = arith.constant 0 : i32
        %dma_wait3A_228 = arith.constant 0 : i32
        %dma_wait3A_229 = tpu.memref_slice %arg4[%dma_wait3A_227, %dma_wait3A_228] : memref<100000x128xf32, #tpu.memory_space<hbm>> -> memref<128x128xf32, #tpu.memory_space<hbm>>
        %dma_wait3A_230 = arith.constant 0 : i32
        %dma_wait3A_231 = arith.constant 0 : i32
        %dma_wait3A_232 = tpu.memref_slice %arg7[%dma_wait3A, %dma_wait3A_230, %dma_wait3A_231] : memref<4x128x128xf32, #tpu.memory_space<vmem>> -> memref<1x128x128xf32, #tpu.memory_space<vmem>>
        %dma_wait3A_233 = tpu.memref_squeeze %dma_wait3A_232 : memref<1x128x128xf32, #tpu.memory_space<vmem>> -> memref<128x128xf32, #tpu.memory_space<vmem>>
        tpu.wait_dma2 semaphore(%arg15 : memref<!tpu.dma_semaphore, #tpu.memory_space<semaphore_mem>>) src(%dma_wait3A_233 : memref<128x128xf32, #tpu.memory_space<vmem>>) dst(%dma_wait3A_229 : memref<128x128xf32, #tpu.memory_space<hbm>>)
      } else {
      }
      %add3A_210 = arith.constant 4 : i32
      %add3A_211 = arith.addi %add3A_201, %add3A_210 : i32
      %mul3A_212 = arith.constant 32 : i32
      %mul3A_213 = arith.muli %mul3A_212, %add3A_211 : i32
      %add3A_214 = arith.addi %add3A, %mul3A_213 : i32
      %lt3A_215 = arith.constant 782 : i32
      %lt3A_216 = arith.cmpi slt, %add3A_214, %lt3A_215 : i32
      %convert_element_type3A_217 = arith.extui %lt3A_216 : i1 to i32
      %cond3A_218 = arith.constant 0 : i32
      %cond3A_219 = arith.cmpi ne, %convert_element_type3A_217, %cond3A_218 : i32
      scf.if %cond3A_219 {
        %add3A_220 = arith.constant 4 : i32
        %add3A_221 = arith.addi %add3A_201, %add3A_220 : i32
        %mul3A_222 = arith.constant 32 : i32
        %mul3A_223 = arith.muli %mul3A_222, %add3A_221 : i32
        %add3A_224 = arith.addi %add3A, %mul3A_223 : i32
        %mul3A_225 = arith.constant 128 : i32
        %mul3A_226 = arith.muli %add3A_224, %mul3A_225 : i32
        %min3A_227 = arith.constant 99872 : i32
        %min3A_228 = arith.minsi %mul3A_226, %min3A_227 : i32
        %multiple_of3A_229 = tpu.assume_multiple %min3A_228, 8 : i32
        %run_scoped3A_230 = arith.constant 3 : i32
        "tpu.region"() ({
          %run_scoped3A_243 = tpu.sem_alloc : memref<!tpu.dma_semaphore, #tpu.memory_space<semaphore_mem>>
          %dma_start3A_244 = arith.constant 0 : i32
          %dma_start3A_245 = tpu.memref_slice %arg6[%run_scoped3A_230, %dma_start3A_244] : memref<4x128xi32, #tpu.memory_space<vmem>> -> memref<1x128xi32, #tpu.memory_space<vmem>>
          %dma_start3A_246 = tpu.memref_squeeze %dma_start3A_245 : memref<1x128xi32, #tpu.memory_space<vmem>> -> memref<128xi32, #tpu.memory_space<vmem>>
          %dma_start3A_247 = tpu.memref_slice %arg3[%multiple_of3A_229] : memref<100000xi32, #tpu.memory_space<hbm>> -> memref<128xi32, #tpu.memory_space<hbm>>
          %dma_start3A_248 = arith.constant 0 : i32
          %dma_start3A_249 = tpu.memref_slice %arg6[%run_scoped3A_230, %dma_start3A_248] : memref<4x128xi32, #tpu.memory_space<vmem>> -> memref<1x128xi32, #tpu.memory_space<vmem>>
          %dma_start3A_250 = tpu.memref_squeeze %dma_start3A_249 : memref<1x128xi32, #tpu.memory_space<vmem>> -> memref<128xi32, #tpu.memory_space<vmem>>
          %dma_start3A_251 = tpu.memref_slice %arg3[%multiple_of3A_229] : memref<100000xi32, #tpu.memory_space<hbm>> -> memref<128xi32, #tpu.memory_space<hbm>>
          tpu.enqueue_dma source(%dma_start3A_251 : memref<128xi32, #tpu.memory_space<hbm>>) target(%dma_start3A_250 : memref<128xi32, #tpu.memory_space<vmem>>) target_semaphore(%run_scoped3A_243 : memref<!tpu.dma_semaphore, #tpu.memory_space<semaphore_mem>>)
          %dma_wait3A = arith.constant 0 : i32
          %dma_wait3A_252 = tpu.memref_slice %arg6[%run_scoped3A_230, %dma_wait3A] : memref<4x128xi32, #tpu.memory_space<vmem>> -> memref<1x128xi32, #tpu.memory_space<vmem>>
          %dma_wait3A_253 = tpu.memref_squeeze %dma_wait3A_252 : memref<1x128xi32, #tpu.memory_space<vmem>> -> memref<128xi32, #tpu.memory_space<vmem>>
          %dma_wait3A_254 = tpu.memref_slice %arg3[%multiple_of3A_229] : memref<100000xi32, #tpu.memory_space<hbm>> -> memref<128xi32, #tpu.memory_space<hbm>>
          %dma_wait3A_255 = arith.constant 0 : i32
          %dma_wait3A_256 = tpu.memref_slice %arg6[%run_scoped3A_230, %dma_wait3A_255] : memref<4x128xi32, #tpu.memory_space<vmem>> -> memref<1x128xi32, #tpu.memory_space<vmem>>
          %dma_wait3A_257 = tpu.memref_squeeze %dma_wait3A_256 : memref<1x128xi32, #tpu.memory_space<vmem>> -> memref<128xi32, #tpu.memory_space<vmem>>
          %dma_wait3A_258 = tpu.memref_slice %arg3[%multiple_of3A_229] : memref<100000xi32, #tpu.memory_space<hbm>> -> memref<128xi32, #tpu.memory_space<hbm>>
          tpu.wait_dma2 semaphore(%run_scoped3A_243 : memref<!tpu.dma_semaphore, #tpu.memory_space<semaphore_mem>>) src(%dma_wait3A_258 : memref<128xi32, #tpu.memory_space<hbm>>) dst(%dma_wait3A_257 : memref<128xi32, #tpu.memory_space<vmem>>)
          tpu.yield
        }) : () -> ()
        %dma_start3A_231 = arith.constant 3 : i32
        %dma_start3A_232 = arith.constant 3 : i32
        %dma_start3A_233 = arith.constant 0 : i32
        %dma_start3A_234 = arith.constant 0 : i32
        %dma_start3A_235 = tpu.memref_slice %arg7[%dma_start3A_232, %dma_start3A_233, %dma_start3A_234] : memref<4x128x128xf32, #tpu.memory_space<vmem>> -> memref<1x128x128xf32, #tpu.memory_space<vmem>>
        %dma_start3A_236 = tpu.memref_squeeze %dma_start3A_235 : memref<1x128x128xf32, #tpu.memory_space<vmem>> -> memref<128x128xf32, #tpu.memory_space<vmem>>
        %dma_start3A_237 = arith.constant 0 : i32
        %dma_start3A_238 = tpu.memref_slice %arg6[%dma_start3A_231, %dma_start3A_237] : memref<4x128xi32, #tpu.memory_space<vmem>> -> memref<1x128xi32, #tpu.memory_space<vmem>>
        %dma_start3A_239 = tpu.memref_squeeze %dma_start3A_238 : memref<1x128xi32, #tpu.memory_space<vmem>> -> memref<128xi32, #tpu.memory_space<vmem>>
        %dma_start3A_240 = arith.constant 0 : i32
        %dma_start3A_241 = arith.constant 0 : i32
        %dma_start3A_242 = tpu.memref_slice %arg5[%dma_start3A_240, %dma_start3A_241] : memref<21x128xf32, #tpu.memory_space<vmem_shared>> -> memref<21x128xf32, #tpu.memory_space<vmem_shared>>
        tpu.enqueue_indirect_dma source(%dma_start3A_242 : memref<21x128xf32, #tpu.memory_space<vmem_shared>>) target(%dma_start3A_236 : memref<128x128xf32, #tpu.memory_space<vmem>>) offsets(%dma_start3A_239 : memref<128xi32, #tpu.memory_space<vmem>>) semaphore(%arg11 : memref<!tpu.dma_semaphore, #tpu.memory_space<semaphore_mem>>)
      } else {
      }
    }
    %scan3A_83 = arith.constant 7 : i32
    return
  }
}

</mosaic_0001>

<sc_bundles>
// kernel: kernel.3.cloned.1.call-start
scs
__scs_entry_jumppad:
0x0: {  	(pc) =	sbr.rel $0x88, $3  }
0x1: {  	(tag) =	ssettag $0x0;
	lr =	simm.s32 $0x1  }
0x2: {  	[smem:$0x3F9F] =	sst lr;
	_ =	strace $0xD0000000  }
0x3: {  	_ = 	snop  }
0x4: {  	_ = 	snop  }
0x5: {  	_ = 	snop  }
0x6: {  	_ = 	snop  }
0x7: {  	_ = 	snop  }
__scs_overlays_trampoline_lowered:
0x8: {  	[smem:$0x3FAE] =	sst s0  }
0x9: {  	[smem:$0x3FAF] =	sst s1  }
0xa: {  	[smem:$0x3FB0] =	sst s2  }
0xb: {  	[smem:$0x3FB1] =	sst s3  }
0xc: {  	[smem:$0x3FB2] =	sst s4  }
0xd: {  	[smem:$0x3FB3] =	sst s5  }
0xe: {  	[smem:$0x3FB4] =	sst s6  }
0xf: {  	[smem:$0x3FB5] =	sst s7  }
0x10: {  	[smem:$0x3FB6] =	sst s8  }
0x11: {  	[smem:$0x3FB7] =	sst s9;
	s0 =	simm.s32 @!p0 $0x0  }
0x12: {  	s1 =	sld [smem:$0x3F9D];
	s0 =	simm.s32 @p0 $0x1  }
0x13: {  	[smem:$0x3FB8] =	sst s0;
	s0 =	simm.s32 @!p1 $0x0  }
0x14: {  	s2 =	sld [smem:$0x3F9C];
	s0 =	simm.s32 @p1 $0x1  }
0x15: {  	[smem:$0x3FB9] =	sst s0;
	s0 =	simm.s32 @!p2 $0x0  }
0x16: {  	s3 =	sld [smem:$0x3FDB];
	s0 =	simm.s32 @p2 $0x1  }
0x17: {  	s4 =	simm.s32 $0x1BF5;
	[smem:$0x3FBB] =	sst s0  }
0x18: {  	s0 =	sld [smem:$0x3F9E];
	_ =	swait.ge [sflag:s4], $0x0  }
0x19: {  	s7 =	sld [smem:$0x3F9F]  }
0x1a: {  	s8 =	sadd.s32 $0xFFFFE003, lr  }
0x1b: {  	s9 =	sadd.s32 $0xFFFFFEF7, lr;
	s5 =	simm.s32 $0xFFFFFFFF;
	p2 =	slt.u32 s8, $0xFFFFF086  }
0x1c: {  	p1 =	slt.u32 s9, $0xF7A;
	s5 =	simm.s32 @!p2 $0x0  }
0x1d: {  	s5 =	simm.s32 @p1 $0x1;
	p0 =	seq.s32 s7, s2  }
0x1e: {  	s7 =	smul.u32 @!p0 $0xF7A, s2;
	p2 =	seq.s32 @!p0 s5, $0x0  }
0x1f: {  	s9 =	smul.u32 $0xF7A, s1;
	s8 =	simm.s32 @!p0 $0x1BF5;
	p2 =	por !p2, p0  }
0x20: {  	[sflag:s8] =	ssyncset.s32 @!p0 $0xFFFFF086;
	s6 =	sadd.s32 @!p0 s3, s7;
	s7 =	simm.s32 @!p0 $0x108  }
0x21: {  	s3 =	sadd.s32 s3, s9;
	s6 =	sadd.s32 @!p0 $0x88, s6;
	s7 =	simm.s32 @p2 $0x1082  }
0x22: {  	[simem:s7], [sflag:s8] =	dma.local @!p0 [hbm:s6], $0xF7A  }
0x23: {  	s9 =	sor.u32 $0xD0000000, s2;
	s6 =	simm.s32 $0x108;
	_ =	swait.ge @!p0 [sflag:s8], $0x0  }
0x24: {  	s3 =	sadd.s32 $0x88, s3;
	s6 =	simm.s32 @!p1 $0x1082;
	[sflag:s4] =	ssyncset.s32 $0xFFFFF086  }
0x25: {  	[simem:s6], [sflag:s4] =	dma.local [hbm:s3], $0xF7A  }
0x26: {  	[smem:$0x3F9F] =	sst s1;
	(tag) =	ssettag s2;
	_ =	strace s9  }
0x27: {  	s1 =	sld [smem:$0x3FAF]  }
0x28: {  	s2 =	sld [smem:$0x3FB0]  }
0x29: {  	s4 =	sld [smem:$0x3FB2]  }
0x2a: {  	p0 =	seq.s32 s5, $0x0;
	s5 =	sld [smem:$0x3FB3]  }
0x2b: {  	s6 =	sld [smem:$0x3FB4]  }
0x2c: {  	s7 =	sld [smem:$0x3FB5]  }
0x2d: {  	s3 =	simm.s32 $0x108;
	s8 =	sld [smem:$0x3FB6]  }
0x2e: {  	s3 =	simm.s32 @!p0 $0x1082;
	s9 =	sld [smem:$0x3FB7]  }
0x2f: {  	lr =	sadd.s32 s0, s3;
	s0 =	sld [smem:$0x3FAE]  }
0x30: {  	s3 =	sld [smem:$0x3FB1]  }
0x31: {  	[smem:$0x3FBA] =	sst s10  }
0x32: {  	s10 =	sld [smem:$0x3FB8];
	_ =	sdelay $0x3  }
0x33: {  	p0 =	seq.s32 s10, $0x1;
	s10 =	sld [smem:$0x3FBA];
	_ =	sdelay $0x3  }
0x34: {  	[smem:$0x3FBA] =	sst s10  }
0x35: {  	s10 =	sld [smem:$0x3FB9];
	_ =	sdelay $0x3  }
0x36: {  	p1 =	seq.s32 s10, $0x1;
	s10 =	sld [smem:$0x3FBA];
	_ =	sdelay $0x3  }
0x37: {  	[smem:$0x3FBA] =	sst s10  }
0x38: {  	s10 =	sld [smem:$0x3FBB]  }
0x39: {  	_ = 	snop;
	(pc) =	sbr.ind lr, $3  }
0x3a: {  	_ = 	snop  }
0x3b: {  	_ = 	snop  }
0x3c: {  	p2 =	seq.s32 s10, $0x1;
	s10 =	sld [smem:$0x3FBA]  }
0x3d: {  	_ =	shalt  }
0x3e: {  	_ =	shalt  }
0x3f: {  	_ =	shalt  }
0x40: {  	_ =	shalt  }
0x41: {  	_ =	shalt  }
0x42: {  	_ =	shalt  }
0x43: {  	_ =	shalt  }
0x44: {  	_ =	shalt  }
0x45: {  	_ =	shalt  }
0x46: {  	_ =	shalt  }
0x47: {  	_ =	shalt  }
0x48: {  	_ =	shalt  }
0x49: {  	_ =	shalt  }
0x4a: {  	_ =	shalt  }
0x4b: {  	_ =	shalt  }
0x4c: {  	_ =	shalt  }
0x4d: {  	_ =	shalt  }
0x4e: {  	_ =	shalt  }
0x4f: {  	_ =	shalt  }
0x50: {  	_ =	shalt  }
0x51: {  	_ =	shalt  }
0x52: {  	_ =	shalt  }
0x53: {  	_ =	shalt  }
0x54: {  	_ =	shalt  }
0x55: {  	_ =	shalt  }
0x56: {  	_ =	shalt  }
0x57: {  	_ =	shalt  }
0x58: {  	_ =	shalt  }
0x59: {  	_ =	shalt  }
0x5a: {  	_ =	shalt  }
0x5b: {  	_ =	shalt  }
0x5c: {  	_ =	shalt  }
0x5d: {  	_ =	shalt  }
0x5e: {  	_ =	shalt  }
0x5f: {  	_ =	shalt  }
0x60: {  	_ =	shalt  }
0x61: {  	_ =	shalt  }
0x62: {  	_ =	shalt  }
0x63: {  	_ =	shalt  }
0x64: {  	_ =	shalt  }
0x65: {  	_ =	shalt  }
0x66: {  	_ =	shalt  }
0x67: {  	_ =	shalt  }
0x68: {  	_ =	shalt  }
0x69: {  	_ =	shalt  }
0x6a: {  	_ =	shalt  }
0x6b: {  	_ =	shalt  }
0x6c: {  	_ =	shalt  }
0x6d: {  	_ =	shalt  }
0x6e: {  	_ =	shalt  }
0x6f: {  	_ =	shalt  }
0x70: {  	_ =	shalt  }
0x71: {  	_ =	shalt  }
0x72: {  	_ =	shalt  }
0x73: {  	_ =	shalt  }
0x74: {  	_ =	shalt  }
0x75: {  	_ =	shalt  }
0x76: {  	_ =	shalt  }
0x77: {  	_ =	shalt  }
0x78: {  	_ =	shalt  }
0x79: {  	_ =	shalt  }
0x7a: {  	_ =	shalt  }
0x7b: {  	_ =	shalt  }
0x7c: {  	_ =	shalt  }
0x7d: {  	_ =	shalt  }
0x7e: {  	_ =	shalt  }
0x7f: {  	_ =	shalt  }
0x80: {  	_ =	shalt  }
0x81: {  	_ =	shalt  }
0x82: {  	_ =	shalt  }
0x83: {  	_ =	shalt  }
0x84: {  	_ =	shalt  }
0x85: {  	_ =	shalt  }
0x86: {  	_ =	shalt  }
0x87: {  	_ =	shalt  }
.Lfunc_end0:
.L_simem_size_0:
called_computation_lowered:
.L_overlay_start_0:
0x88: {  	s2 =	sld [smem:$0x3FD9]  }
0x89: {  	s3 =	sld [smem:$0x3FFE];
	_ =	sdelay $0x1  }
0x8a: {  	s1 =	srdreg.scid  }
0x8b: {  	s0 =	sand.u32 $0x1, s1  }
0x8c: {  	s18 =	sshll.u32 s0, $0xA;
	s2 =	sadd.s32 s3, s2  }
0x8d: {  	s2 =	sadd.s32 s2, s18  }
0x8e: {  	[smem:$0x3FC6] =	sst s2  }
0x8f: {  	_ = 	snop  }
0x90: {  	s2 =	sld [smem:$0x3FC9]  }
0x91: {  	s19 =	sld [smem:$0x3FC8]  }
0x92: {  	s4 =	sld [smem:$0x3FD0];
	(tm) =	ssettm $0x1  }
0x93: {  	s5 =	sld [smem:$0x3FFB];
	_ =	sdelay $0x3  }
0x94: {  	_ =	strace s5  }
0x95: {  	s5 =	sld [smem:$0x3FFC];
	_ =	sdelay $0x3  }
0x96: {  	_ =	strace s5  }
0x97: {  	s5 =	sld [smem:$0x3FFD];
	_ =	sdelay $0x3  }
0x98: {  	_ =	strace s5  }
0x99: {  	_ =	strace $0x8FFFFFFF  }
0x9a: {  	s20 =	sld [smem:$0x3FDB];
	_ =	sdelay $0x1  }
0x9b: {  	s6 =	simm.s32 $_scs_section_size  }
0x9c: {  	s7 =	simm.s32 $_size__tile_overlayer_lowered;
	s8 =	simm.s32 $_tile_overlayer_lowered  }
0x9d: {  	s23 =	simm.s32 $0x1BFF;
	s22 =	sshll.u32 s8, $0x1;
	s5 =	sadd.s32 s6, s20  }
0x9e: {  	s9 =	simm.s32 $0x0;
	s21 =	sshll.u32 s7, $0x1;
	s7 =	sadd.s32 s22, s5  }
0x9f: {  	[timem:s9], [sflag:s23] =	dma.local [hbm:s7], s21  }
0xa0: {  	_ =	swait.ge [sflag:s23], s21  }
0xa1: {  	s6 =	ssub.s32 $0x0, s21;
	[sflag:s23] =	ssyncset.done $0x0  }
0xa2: {  	[sflag:s23] =	ssyncadd.s32 s6;
	_ =	sdelay $0x1  }
0xa3: {  	s24 =	simm.s32 $0x1B8B  }
0xa4: {  	_ =	swait.ge [sflag:s24], $0x1  }
0xa5: {  	[sflag:s24] =	ssyncset.done $0x0  }
0xa6: {  	s25 =	simm.s32 $0x1B8E;
	[sflag:s24] =	ssyncadd.s32 $0xFFFFFFFF  }
0xa7: {  	s26 =	simm.s32 $execute0_lowered;
	[smem:$0x3FD2] =	sst s25  }
0xa8: {  	s6 =	sshll.u32 s26, $0x1;
	_ =	strace $0x80000046;
	[dreg:$0x1] =	wrdreg $0xFFFFFFFF  }
0xa9: {  	s28 =	simm.s32 $_size_execute0_lowered;
	s5 =	sadd.s32 s5, s6;
	[dreg:$0x0] =	wrdreg $0x0  }
0xaa: {  	s6 =	sshll.u32 s28, $0x1;
	[dreg:$0x2] =	wrdreg s5  }
0xab: {  	[dreg:$0x3] =	wrdreg s6  }
0xac: {  	[dreg:$0x4] =	wrdreg $0xC0  }
0xad: {  	_ =	task [dreg:s9], $0x5FFFF  }
0xae: {  	[dreg:$0x1] =	wrdreg $0xFFFFFFFF  }
0xaf: {  	[dreg:$0x0] =	wrdreg $0x60  }
0xb0: {  	[dreg:$0x2] =	wrdreg s19  }
0xb1: {  	[dreg:$0x3] =	wrdreg s2  }
0xb2: {  	[dreg:$0x4] =	wrdreg s4  }
0xb3: {  	[dreg:$0x5] =	wrdreg $0x0  }
0xb4: {  	[dreg:$0x6] =	wrdreg $0x9  }
0xb5: {  	_ =	task.clear_ibuf [dreg:s9], $0x7FFFF;
	_ =	strace $0x90000046  }
0xb6: {  	s29 =	simm.s32 $0x9;
	_ =	strace $0x80000048  }
0xb7: {  	_ =	swait.ge [sflag:s29], $0x1  }
0xb8: {  	[sflag:s29] =	ssyncadd.s32 $0xFFFFFFFF  }
0xb9: {  	_ =	strace $0x90000048  }
0xba: {  	_ =	sfence  }
0xbb: {  	s30 =	sld [smem:$0x0];
	_ =	sdelay $0x2  }
0xbc: {  	s31 =	sshll.u32 s1, $0xD;
	s1 =	sshrl.u32 s1, $0x2  }
0xbd: {  	s3 =	sand.u32 $0x4000, s31;
	s1 =	sadd.s32 s1, s30  }
0xbe: {  	s0 =	sor.u32 s3, s0;
	s1 =	sshll.u32 s1, $0x11  }
0xbf: {  	s0 =	sor.u32 s1, s0  }
0xc0: {  	s0 =	sadd.s32 $0x8F2B, s0  }
0xc1: {  	[sflag:s0] =	ssyncadd.remote.s32 $0x1  }
0xc2: {  	_ =	sfence.sel $0xFFFF  }
0xc3: {  	[dreg:$0x0] =	wrdreg $0xFFFFFFFF;
	(pc) =	sbr.abs _section_cstart, $3  }
0xc4: {  	[dreg:$0x1] =	wrdreg $0xFFFFFFFF  }
0xc5: {  	_ =	task.clear_ibuf [dreg:s9], $0x2FFFF;
	_ =	strace $0x9FFFFFFF  }
0xc6: {  	(tm) =	ssettm $0x7FFFFFFF  }
0xc7: {  	_ =	shalt  }
tec
execute0_lowered:
.L_overlay_start_1:
0x0: {  	(tag) =	ssettag $0x1  }
0x1: {  	s2 =	rddreg [dreg:$0x1]  }
0x2: {  	s3 =	rddreg [dreg:$0x2]  }
0x3: {  	s4 =	rddreg [dreg:$0x3]  }
0x4: {  	s5 =	srdreg.scid;
	s13 =	stileid.u32;
	s15 =	simm.s32 $0x9  }
0x5: {  	s16 =	simm.s32 $0x80;
	s18 =	simm.s32 $0x128;
	s20 =	simm.s32 $0x1A8  }
0x6: {  	s22 =	simm.s32 $0x228;
	s24 =	simm.s32 $0x0;
	s11 =	sand.u32 $0x1, s5  }
0x7: {  	s6 =	sshll.u32 s13, $0x1;
	s5 =	simm.s32 $0x0;
	s14 =	sshll.u32 s13, $0x8  }
0x8: {  	p0 =	sne.s32 s13, $0x0;
	s7 =	ssub.s32 $0x2, s11;
	s12 =	sor.u32 s11, s6  }
0x9: {  	[smem:$0x7FF] =	sst s5;
	s11 =	sshll.u32 s11, $0x7;
	s13 =	sshrl.u32 @!p0 s4, $0x3  }
0xa: {  	s31 =	sshrl.u32 s7, $0x1;
	s8 =	sshll.u32 s12, $0x4;
	_ =	strace $0x80000047  }
0xb: {  	s11 =	sor.u32 s11, s14;
	s12 =	sor.u32 $0xE0, s12;
	s6 =	sadd.s32 s2, s8  }
0xc: {  	s14 =	simm.s32 $0xA8;
	s10 =	ssub.s32 s7, s31;
	s7 =	sadd.s32 $0x200, s6  }
0xd: {  	s8 =	sadd.s32 $0x400, s6;
	s9 =	sadd.s32 $0x600, s6;
	s10 =	smax.u32 s10, $0x1  }
.LBB2_1:
0xe: {  	s25 =	simm.s32 @!p0 $0x1C09;
	s0 =	rddreg [dreg:$0x0]  }
0xf: {  	[spmem:s13], [sflag:s25] =	dma.local @!p0 [hbm:s0], $0x150  }
0x10: {  	s25 =	simm.s32 @!p0 $0x9  }
0x11: {  	_ =	swait.ge @!p0 [sflag:s25], $0x150  }
0x12: {  	[sflag:s25] =	ssyncset.done @!p0 $0x0  }
0x13: {  	[sflag:s25] =	ssyncadd.s32 @!p0 $0xFFFFFEB0  }
0x14: {  	[bflag:$0x0] =	sbarrier.arrive $0xFFFF  }
0x15: {  	[tilespmem:s14], [sflag:$0x9] =	stream.linear.gather [hbm4b:s6+s5], $0x80, $0x38;
	[tilespmem:$0x102A8] =	vst v63  }
0x16: {  	_ =	swait.ge [sflag:s15], $0x80  }
0x17: {  	[sflag:s15] =	ssyncset.done $0x0  }
0x18: {  	s25 =	simm.s32 $0x2A8;
	[sflag:s15] =	ssyncadd.s32 $0xFFFFFF80  }
0x19: {  	[tilespmem:s25], [sflag:$0x1] =	stream.indirect.gather [spmem:s4], $0x80, s14, s16, $0xb8;
	[tilespmem:$0x102A8] =	vst v63  }
0x1a: {  	_ = 	snop  }
0x1b: {  	[tilespmem:s18], [sflag:$0x9] =	stream.linear.gather [hbm4b:s7+s5], $0x80, $0x38;
	[tilespmem:$0x102A8] =	vst v63  }
0x1c: {  	_ =	swait.ge [sflag:s15], $0x80  }
0x1d: {  	[sflag:s15] =	ssyncset.done $0x0  }
0x1e: {  	s26 =	simm.s32 $0x42A8;
	[sflag:s15] =	ssyncadd.s32 $0xFFFFFF80  }
0x1f: {  	[tilespmem:s26], [sflag:$0x2] =	stream.indirect.gather [spmem:s4], $0x80, s18, s16, $0xb8;
	[tilespmem:$0x102A8] =	vst v63  }
0x20: {  	_ = 	snop  }
0x21: {  	[tilespmem:s20], [sflag:$0x9] =	stream.linear.gather [hbm4b:s8+s5], $0x80, $0x38;
	[tilespmem:$0x102A8] =	vst v63  }
0x22: {  	_ =	swait.ge [sflag:s15], $0x80  }
0x23: {  	s1 =	simm.s32 $0x82A8;
	[sflag:s15] =	ssyncset.done $0x0  }
0x24: {  	s19 =	sadd.s32 $0xFFFFFF20, s12;
	s21 =	sadd.s32 $0xFFFFFF40, s12;
	[sflag:s15] =	ssyncadd.s32 $0xFFFFFF80  }
0x25: {  	[tilespmem:s1], [sflag:$0x3] =	stream.indirect.gather [spmem:s4], $0x80, s20, s16, $0xb8;
	[tilespmem:$0x102A8] =	vst v63  }
0x26: {  	s17 =	simm.s32 $0xC2A8;
	p4 =	sgt.u32 s19, $0x30D;
	p3 =	sgt.u32 s21, $0x30D  }
0x27: {  	[tilespmem:s22], [sflag:$0x9] =	stream.linear.gather [hbm4b:s9+s5], $0x80, $0x38;
	[tilespmem:$0x102A8] =	vst v63  }
0x28: {  	s28 =	simm.s32 @!p4 $0x1;
	s29 =	sadd.s32 @!p4 $0x0, s11;
	_ =	swait.ge [sflag:s15], $0x80  }
0x29: {  	s30 =	simm.s32 @!p4 $0x0;
	s29 =	smin.u32 @!p4 s29, $0x18620;
	[sflag:s15] =	ssyncset.done $0x0  }
0x2a: {  	s31 =	simm.s32 @!p4 $0x2A8;
	s29 =	sshll.u32 @!p4 s29, $0x4;
	[sflag:s15] =	ssyncadd.s32 $0xFFFFFF80  }
0x2b: {  	[tilespmem:s17], [sflag:$0x4] =	stream.indirect.gather [spmem:s4], $0x80, s22, s16, $0xb8;
	[tilespmem:$0x102A8] =	vst v63  }
0x2c: {  	s25 =	sadd.s32 @!p4 s3, s29;
	s29 =	sadd.s32 @!p3 $0x0, s11;
	_ =	swait.ge @!p4 [sflag:s28], $0x4000  }
0x2d: {  	s29 =	sadd.s32 @!p3 $0x1000, s29;
	s26 =	sadd.s32 $0xFFFFFF60, s12;
	[sflag:s28] =	ssyncset.done @!p4 $0x0  }
0x2e: {  	p2 =	sgt.u32 s26, $0x30D;
	s26 =	smin.u32 @!p3 s29, $0x18620;
	[sflag:s28] =	ssyncadd.s32 @!p4 $0xFFFFC000  }
0x2f: {  	[hbm4b:s25+s30] =	stream.linear.scatter @!p4 [tilespmem:s31], [sflag:$0x5], $0x4000, $0x38;
	[tilespmem:$0x102A8] =	vst v63  }
0x30: {  	s23 =	sadd.s32 $0xFFFFFFE0, s12;
	s26 =	sshll.u32 @!p3 s26, $0x4;
	s25 =	simm.s32 @!p3 $0x2  }
0x31: {  	s29 =	sadd.s32 @!p2 $0x0, s11;
	s26 =	sadd.s32 @!p3 s3, s26;
	_ =	swait.ge @!p3 [sflag:s25], $0x4000  }
0x32: {  	s29 =	sadd.s32 @!p2 $0x2000, s29;
	s28 =	simm.s32 @!p3 $0x42A8;
	[sflag:s25] =	ssyncset.done @!p3 $0x0  }
0x33: {  	s30 =	simm.s32 @!p3 $0x0;
	s31 =	simm.s32 @!p2 $0x3;
	[sflag:s25] =	ssyncadd.s32 @!p3 $0xFFFFC000  }
0x34: {  	[hbm4b:s26+s30] =	stream.linear.scatter @!p3 [tilespmem:s28], [sflag:$0x6], $0x4000, $0x38;
	[tilespmem:$0x102A8] =	vst v63  }
0x35: {  	s25 =	simm.s32 @!p2 $0x82A8;
	s26 =	smin.u32 @!p2 s29, $0x18620;
	s28 =	sadd.s32 $0xFFFFFF80, s12  }
0x36: {  	_ =	swait.ge @!p2 [sflag:s31], $0x4000;
	s26 =	sshll.u32 @!p2 s26, $0x4;
	p1 =	sgt.u32 s28, $0x30D  }
0x37: {  	s28 =	simm.s32 @!p2 $0x0;
	[sflag:s31] =	ssyncset.done @!p2 $0x0;
	s29 =	simm.s32 @!p1 $0x4  }
0x38: {  	s26 =	sadd.s32 @!p2 s3, s26;
	s30 =	sadd.s32 @!p1 $0x0, s11;
	[sflag:s31] =	ssyncadd.s32 @!p2 $0xFFFFC000  }
0x39: {  	[hbm4b:s26+s28] =	stream.linear.scatter @!p2 [tilespmem:s25], [sflag:$0x7], $0x4000, $0x38;
	[tilespmem:$0x102A8] =	vst v63  }
0x3a: {  	s31 =	sadd.s32 $0xFFFFFFA0, s12;
	s25 =	sadd.s32 @!p1 $0x3000, s30;
	s26 =	simm.s32 @!p1 $0x0  }
0x3b: {  	p5 =	sgt.u32 s31, $0x30D;
	_ =	swait.ge @!p1 [sflag:s29], $0x4000;
	s25 =	smin.u32 @!p1 s25, $0x18620  }
0x3c: {  	s30 =	sadd.s32 @!p5 $0x0, s11;
	[sflag:s29] =	ssyncset.done @!p1 $0x0;
	s25 =	sshll.u32 @!p1 s25, $0x4  }
0x3d: {  	[sflag:s29] =	ssyncadd.s32 @!p1 $0xFFFFC000;
	s25 =	sadd.s32 @!p1 s3, s25;
	s29 =	simm.s32 @!p1 $0xC2A8  }
0x3e: {  	[hbm4b:s25+s26] =	stream.linear.scatter @!p1 [tilespmem:s29], [sflag:$0x8], $0x4000, $0x38;
	[tilespmem:$0x102A8] =	vst v63  }
0x3f: {  	s28 =	simm.s32 @!p4 $0x5;
	s31 =	sadd.s32 $0xFFFFFFC0, s12;
	s25 =	sadd.s32 @!p5 $0x4000, s30  }
0x40: {  	s29 =	simm.s32 @!p5 $0xA8;
	_ =	swait.ge @!p4 [sflag:s28], $0x4000;
	s25 =	smin.u32 @!p5 s25, $0x18620  }
0x41: {  	s30 =	simm.s32 @!p5 $0x9;
	[sflag:s28] =	ssyncset.done @!p4 $0x0;
	s25 =	sshrl.u32 @!p5 s25, $0x3  }
0x42: {  	[sflag:s28] =	ssyncadd.s32 @!p4 $0xFFFFC000;
	s28 =	simm.s32 @!p5 $0x0;
	s25 =	sadd.s32 @!p5 s2, s25  }
0x43: {  	[tilespmem:s29], [sflag:$0x9] =	stream.linear.gather @!p5 [hbm4b:s25+s28], $0x80, $0x38;
	[tilespmem:$0x102A8] =	vst v63  }
0x44: {  	p4 =	sgt.u32 s31, $0x30D;
	s25 =	simm.s32 @!p5 $0x2A8;
	_ =	swait.ge @!p5 [sflag:s30], $0x80  }
0x45: {  	s28 =	simm.s32 @!p3 $0x6;
	s31 =	sadd.s32 @!p4 $0x0, s11;
	[sflag:s30] =	ssyncset.done @!p5 $0x0  }
0x46: {  	s31 =	sadd.s32 @!p4 $0x5000, s31;
	[sflag:s30] =	ssyncadd.s32 @!p5 $0xFFFFFF80;
	s30 =	simm.s32 @!p5 $0x80  }
0x47: {  	[tilespmem:s25], [sflag:$0x1] =	stream.indirect.gather @!p5 [spmem:s4], $0x80, s29, s30, $0xb8;
	[tilespmem:$0x102A8] =	vst v63  }
0x48: {  	s25 =	smin.u32 @!p4 s31, $0x18620;
	s29 =	simm.s32 @!p4 $0x128;
	_ =	swait.ge @!p3 [sflag:s28], $0x4000  }
0x49: {  	s30 =	simm.s32 @!p4 $0x0;
	s25 =	sshrl.u32 @!p4 s25, $0x3;
	[sflag:s28] =	ssyncset.done @!p3 $0x0  }
0x4a: {  	s25 =	sadd.s32 @!p4 s2, s25;
	[sflag:s28] =	ssyncadd.s32 @!p3 $0xFFFFC000;
	s28 =	simm.s32 @!p4 $0x9  }
0x4b: {  	[tilespmem:s29], [sflag:$0x9] =	stream.linear.gather @!p4 [hbm4b:s25+s30], $0x80, $0x38;
	[tilespmem:$0x102A8] =	vst v63  }
0x4c: {  	s26 =	simm.s32 @!p4 $0x80;
	p5 =	sgt.u32 s23, $0x30D;
	_ =	swait.ge @!p4 [sflag:s28], $0x80  }
0x4d: {  	s25 =	simm.s32 @!p4 $0x42A8;
	s30 =	sadd.s32 @!p5 $0x0, s11;
	[sflag:s28] =	ssyncset.done @!p4 $0x0  }
0x4e: {  	s30 =	sadd.s32 @!p5 $0x6000, s30;
	[sflag:s28] =	ssyncadd.s32 @!p4 $0xFFFFFF80;
	s28 =	simm.s32 @!p2 $0x7  }
0x4f: {  	[tilespmem:s25], [sflag:$0x2] =	stream.indirect.gather @!p4 [spmem:s4], $0x80, s29, s26, $0xb8;
	[tilespmem:$0x102A8] =	vst v63  }
0x50: {  	s25 =	smin.u32 @!p5 s30, $0x18620;
	s26 =	simm.s32 @!p5 $0x1A8;
	_ =	swait.ge @!p2 [sflag:s28], $0x4000  }
0x51: {  	s29 =	simm.s32 @!p5 $0x0;
	s25 =	sshrl.u32 @!p5 s25, $0x3;
	[sflag:s28] =	ssyncset.done @!p2 $0x0  }
0x52: {  	s25 =	sadd.s32 @!p5 s2, s25;
	[sflag:s28] =	ssyncadd.s32 @!p2 $0xFFFFC000;
	s28 =	simm.s32 @!p5 $0x9  }
0x53: {  	[tilespmem:s26], [sflag:$0x9] =	stream.linear.gather @!p5 [hbm4b:s25+s29], $0x80, $0x38;
	[tilespmem:$0x102A8] =	vst v63  }
0x54: {  	p3 =	sgt.u32 s12, $0x30D;
	_ =	swait.ge @!p5 [sflag:s28], $0x80  }
0x55: {  	s31 =	sadd.s32 @!p3 $0x0, s11;
	s30 =	simm.s32 @!p5 $0x80;
	[sflag:s28] =	ssyncset.done @!p5 $0x0  }
0x56: {  	s25 =	simm.s32 $0x4000;
	s29 =	simm.s32 @!p5 $0x82A8;
	[sflag:s28] =	ssyncadd.s32 @!p5 $0xFFFFFF80  }
0x57: {  	[tilespmem:s29], [sflag:$0x3] =	stream.indirect.gather @!p5 [spmem:s4], $0x80, s26, s30, $0xb8;
	[tilespmem:$0x102A8] =	vst v63  }
0x58: {  	s28 =	simm.s32 @!p1 $0x8;
	s26 =	sadd.s32 $0x80, s12;
	s29 =	sadd.s32 @!p3 $0x7000, s31  }
0x59: {  	s30 =	simm.s32 @!p3 $0x228;
	_ =	swait.ge @!p1 [sflag:s28], $0x4000;
	s29 =	smin.u32 @!p3 s29, $0x18620  }
0x5a: {  	[sflag:s28] =	ssyncset.done @!p1 $0x0;
	s31 =	sshrl.u32 @!p3 s29, $0x3;
	s29 =	simm.s32 @!p3 $0x0  }
.LBB2_2:
0x5b: {  	[sflag:s28] =	ssyncadd.s32 @!p1 $0xFFFFC000;
	s28 =	sadd.s32 @!p3 s2, s31;
	s31 =	simm.s32 @!p3 $0x9  }
0x5c: {  	[tilespmem:s30], [sflag:$0x9] =	stream.linear.gather @!p3 [hbm4b:s28+s29], $0x80, $0x38;
	[tilespmem:$0x102A8] =	vst v63  }
0x5d: {  	s28 =	smov.u32 s25;
	s25 =	sadd.s32 $0x4000, s25;
	_ =	swait.ge @!p3 [sflag:s31], $0x80  }
0x5e: {  	s1 =	simm.s32 @!p3 $0x80;
	s0 =	simm.s32 @!p3 $0xC2A8;
	[sflag:s31] =	ssyncset.done @!p3 $0x0  }
0x5f: {  	s29 =	smov.u32 s26;
	p2 =	sne.s32 s25, $0x1C000;
	[sflag:s31] =	ssyncadd.s32 @!p3 $0xFFFFFF80  }
0x60: {  	[tilespmem:s0], [sflag:$0x4] =	stream.indirect.gather @!p3 [spmem:s4], $0x80, s30, s1, $0xb8;
	[tilespmem:$0x102A8] =	vst v63  }
0x61: {  	_ = 	snop  }
0x62: {  	s26 =	sadd.s32 $0x80, s26;
	s0 =	sadd.s32 $0xFFFFFF20, s29  }
0x63: {  	s1 =	sadd.s32 $0xFFFFFF60, s29;
	p5 =	sgt.u32 s0, $0x30D;
	s0 =	sadd.s32 $0xFFFFFF40, s29  }
0x64: {  	s30 =	simm.s32 @!p5 $0x1;
	s31 =	sadd.s32 @!p5 s28, s11;
	s17 =	simm.s32 @!p5 $0x0  }
0x65: {  	s19 =	simm.s32 @!p5 $0x2A8;
	s31 =	smin.u32 @!p5 s31, $0x18620;
	_ =	swait.ge @!p5 [sflag:s30], $0x4000  }
0x66: {  	p4 =	sgt.u32 s0, $0x30D;
	s31 =	sshll.u32 @!p5 s31, $0x4;
	[sflag:s30] =	ssyncset.done @!p5 $0x0  }
0x67: {  	s0 =	sadd.s32 @!p5 s3, s31;
	[sflag:s30] =	ssyncadd.s32 @!p5 $0xFFFFC000;
	s30 =	simm.s32 @!p4 $0x42A8  }
0x68: {  	s21 =	sadd.s32 @!p4 s28, s11;
	s23 =	simm.s32 @!p4 $0x0;
	s31 =	simm.s32 @!p4 $0x2  }
0x69: {  	[hbm4b:s0+s17] =	stream.linear.scatter @!p5 [tilespmem:s19], [sflag:$0x5], $0x4000, $0x38;
	[tilespmem:$0x102A8] =	vst v63  }
0x6a: {  	p3 =	sgt.u32 s1, $0x30D;
	s0 =	sadd.s32 @!p4 $0x1000, s21;
	_ =	swait.ge @!p4 [sflag:s31], $0x4000  }
0x6b: {  	s1 =	sadd.s32 @!p3 s28, s11;
	s0 =	smin.u32 @!p4 s0, $0x18620;
	[sflag:s31] =	ssyncset.done @!p4 $0x0  }
0x6c: {  	s17 =	simm.s32 @!p3 $0x3;
	s19 =	simm.s32 @!p3 $0x82A8;
	s0 =	sshll.u32 @!p4 s0, $0x4  }
0x6d: {  	s1 =	sadd.s32 @!p3 $0x2000, s1;
	s0 =	sadd.s32 @!p4 s3, s0;
	[sflag:s31] =	ssyncadd.s32 @!p4 $0xFFFFC000  }
0x6e: {  	[hbm4b:s0+s23] =	stream.linear.scatter @!p4 [tilespmem:s30], [sflag:$0x6], $0x4000, $0x38;
	[tilespmem:$0x102A8] =	vst v63  }
0x6f: {  	s0 =	smin.u32 @!p3 s1, $0x18620;
	s1 =	sadd.s32 $0xFFFFFF80, s29;
	_ =	swait.ge @!p3 [sflag:s17], $0x4000  }
0x70: {  	s0 =	sshll.u32 @!p3 s0, $0x4;
	p1 =	sgt.u32 s1, $0x30D;
	[sflag:s17] =	ssyncset.done @!p3 $0x0  }
0x71: {  	s1 =	simm.s32 @!p3 $0x0;
	[sflag:s17] =	ssyncadd.s32 @!p3 $0xFFFFC000;
	s17 =	simm.s32 @!p1 $0x4  }
0x72: {  	s23 =	sadd.s32 $0xFFFFFFA0, s29;
	s0 =	sadd.s32 @!p3 s3, s0;
	s21 =	sadd.s32 @!p1 s28, s11  }
0x73: {  	[hbm4b:s0+s1] =	stream.linear.scatter @!p3 [tilespmem:s19], [sflag:$0x7], $0x4000, $0x38;
	[tilespmem:$0x102A8] =	vst v63  }
0x74: {  	s0 =	sadd.s32 @!p1 $0x3000, s21;
	s1 =	simm.s32 @!p1 $0x0;
	_ =	swait.ge @!p1 [sflag:s17], $0x4000  }
0x75: {  	s19 =	simm.s32 @!p5 $0x5;
	s0 =	smin.u32 @!p1 s0, $0x18620;
	[sflag:s17] =	ssyncset.done @!p1 $0x0  }
0x76: {  	p6 =	sgt.u32 s23, $0x30D;
	s0 =	sshll.u32 @!p1 s0, $0x4;
	[sflag:s17] =	ssyncadd.s32 @!p1 $0xFFFFC000  }
0x77: {  	s21 =	sadd.s32 @!p6 s28, s11;
	s0 =	sadd.s32 @!p1 s3, s0;
	s17 =	simm.s32 @!p1 $0xC2A8  }
0x78: {  	[hbm4b:s0+s1] =	stream.linear.scatter @!p1 [tilespmem:s17], [sflag:$0x8], $0x4000, $0x38;
	[tilespmem:$0x102A8] =	vst v63  }
0x79: {  	s0 =	sadd.s32 @!p6 $0x4000, s21;
	s1 =	sadd.s32 $0xFFFFFFE0, s29;
	_ =	swait.ge @!p5 [sflag:s19], $0x4000  }
0x7a: {  	s17 =	simm.s32 @!p6 $0xA8;
	s0 =	smin.u32 @!p6 s0, $0x18620;
	[sflag:s19] =	ssyncset.done @!p5 $0x0  }
0x7b: {  	s0 =	sshrl.u32 @!p6 s0, $0x3;
	[sflag:s19] =	ssyncadd.s32 @!p5 $0xFFFFC000;
	s19 =	simm.s32 @!p6 $0x0  }
0x7c: {  	s23 =	sadd.s32 $0xFFFFFFC0, s29;
	s21 =	simm.s32 @!p6 $0x9;
	s0 =	sadd.s32 @!p6 s2, s0  }
0x7d: {  	[tilespmem:s17], [sflag:$0x9] =	stream.linear.gather @!p6 [hbm4b:s0+s19], $0x80, $0x38;
	[tilespmem:$0x102A8] =	vst v63  }
0x7e: {  	p5 =	sgt.u32 s23, $0x30D;
	s0 =	simm.s32 @!p6 $0x2A8;
	_ =	swait.ge @!p6 [sflag:s21], $0x80  }
0x7f: {  	s23 =	sadd.s32 @!p5 s28, s11;
	s19 =	simm.s32 @!p4 $0x6;
	[sflag:s21] =	ssyncset.done @!p6 $0x0  }
0x80: {  	s23 =	sadd.s32 @!p5 $0x5000, s23;
	[sflag:s21] =	ssyncadd.s32 @!p6 $0xFFFFFF80;
	s21 =	simm.s32 @!p6 $0x80  }
0x81: {  	[tilespmem:s0], [sflag:$0x1] =	stream.indirect.gather @!p6 [spmem:s4], $0x80, s17, s21, $0xb8;
	[tilespmem:$0x102A8] =	vst v63  }
0x82: {  	s0 =	smin.u32 @!p5 s23, $0x18620;
	s17 =	simm.s32 @!p5 $0x128;
	_ =	swait.ge @!p4 [sflag:s19], $0x4000  }
0x83: {  	s21 =	simm.s32 @!p5 $0x0;
	s0 =	sshrl.u32 @!p5 s0, $0x3;
	[sflag:s19] =	ssyncset.done @!p4 $0x0  }
0x84: {  	s0 =	sadd.s32 @!p5 s2, s0;
	[sflag:s19] =	ssyncadd.s32 @!p4 $0xFFFFC000;
	s19 =	simm.s32 @!p5 $0x9  }
0x85: {  	[tilespmem:s17], [sflag:$0x9] =	stream.linear.gather @!p5 [hbm4b:s0+s21], $0x80, $0x38;
	[tilespmem:$0x102A8] =	vst v63  }
0x86: {  	p4 =	sgt.u32 s1, $0x30D;
	s0 =	simm.s32 @!p5 $0x42A8;
	_ =	swait.ge @!p5 [sflag:s19], $0x80  }
0x87: {  	s1 =	simm.s32 @!p5 $0x80;
	s21 =	sadd.s32 @!p4 s28, s11;
	[sflag:s19] =	ssyncset.done @!p5 $0x0  }
0x88: {  	s21 =	sadd.s32 @!p4 $0x6000, s21;
	[sflag:s19] =	ssyncadd.s32 @!p5 $0xFFFFFF80;
	s19 =	simm.s32 @!p3 $0x7  }
0x89: {  	[tilespmem:s0], [sflag:$0x2] =	stream.indirect.gather @!p5 [spmem:s4], $0x80, s17, s1, $0xb8;
	[tilespmem:$0x102A8] =	vst v63  }
0x8a: {  	s0 =	smin.u32 @!p4 s21, $0x18620  }
0x8b: {  	s1 =	simm.s32 @!p4 $0x1A8;
	_ =	swait.ge @!p3 [sflag:s19], $0x4000;
	s0 =	sshrl.u32 @!p4 s0, $0x3  }
0x8c: {  	s17 =	simm.s32 @!p4 $0x0;
	[sflag:s19] =	ssyncset.done @!p3 $0x0;
	s0 =	sadd.s32 @!p4 s2, s0  }
0x8d: {  	[sflag:s19] =	ssyncadd.s32 @!p3 $0xFFFFC000;
	s19 =	simm.s32 @!p4 $0x9;
	p3 =	sgt.u32 s29, $0x30D  }
0x8e: {  	[tilespmem:s1], [sflag:$0x9] =	stream.linear.gather @!p4 [hbm4b:s0+s17], $0x80, $0x38;
	[tilespmem:$0x102A8] =	vst v63  }
0x8f: {  	s0 =	simm.s32 @!p4 $0x82A8;
	s17 =	simm.s32 @!p4 $0x80;
	_ =	swait.ge @!p4 [sflag:s19], $0x80  }
.Ltmp0:
0x90: {  	s21 =	sadd.s32 @!p3 s28, s11;
	[sflag:s19] =	ssyncset.done @!p4 $0x0;
	(pc) =	sbr.rel @p2 .LBB2_2-.Ltmp0, $4  }
0x91: {  	s28 =	simm.s32 @!p1 $0x8;
	[sflag:s19] =	ssyncadd.s32 @!p4 $0xFFFFFF80;
	s19 =	sadd.s32 @!p3 $0x7000, s21  }
0x92: {  	[tilespmem:s0], [sflag:$0x3] =	stream.indirect.gather @!p4 [spmem:s4], $0x80, s1, s17, $0xb8;
	[tilespmem:$0x102A8] =	vst v63  }
0x93: {  	s30 =	simm.s32 @!p3 $0x228;
	s0 =	smin.u32 @!p3 s19, $0x18620;
	_ =	swait.ge @!p1 [sflag:s28], $0x4000  }
0x94: {  	s29 =	simm.s32 @!p3 $0x0;
	s31 =	sshrl.u32 @!p3 s0, $0x3;
	[sflag:s28] =	ssyncset.done @!p1 $0x0  }
0x95: {  	[sflag:s28] =	ssyncadd.s32 @!p1 $0xFFFFC000;
	s0 =	sadd.s32 @!p3 s2, s31;
	s24 =	sadd.s32 $0x1, s24  }
0x96: {  	[tilespmem:s30], [sflag:$0x9] =	stream.linear.gather @!p3 [hbm4b:s0+s29], $0x80, $0x38;
	[tilespmem:$0x102A8] =	vst v63  }
0x97: {  	p1 =	sne.s32 s24, s10  }
.Ltmp1:
0x98: {  	s1 =	simm.s32 @!p3 $0x9;
	(pc) =	sbr.rel @p1 .LBB2_1-.Ltmp1, $4  }
0x99: {  	_ =	swait.ge @!p3 [sflag:s1], $0x80  }
0x9a: {  	[sflag:s1] =	ssyncset.done @!p3 $0x0  }
0x9b: {  	s17 =	simm.s32 @!p3 $0xC2A8;
	s0 =	simm.s32 @!p3 $0x80;
	[sflag:s1] =	ssyncadd.s32 @!p3 $0xFFFFFF80  }
0x9c: {  	[tilespmem:s17], [sflag:$0x4] =	stream.indirect.gather @!p3 [spmem:s4], $0x80, s30, s0, $0xb8;
	[tilespmem:$0x102A8] =	vst v63  }
0x9d: {  	_ =	sfence.sel $0x180000  }
0x9e: {  	[bflag:$0x0] =	sbarrier.arrive $0xFFFF  }
0x9f: {  	_ =	strace $0x90000047  }
0xa0: {  	[bflag:$0x2] =	sbarrier.arrive $0xFFFF  }
0xa1: {  	s0 =	rddreg [dreg:$0x4]  }
0xa2: {  	s0 =	sadd.s32 @!p0 $0x100000, s0  }
0xa3: {  	[sflag:s0] =	ssyncadd.tile.s32 @!p0 $0x1;
	_ =	shalt  }
.Lfunc_end2:
_tile_overlayer_lowered:
.L_overlay_start_2:
0xa4: {  	(tag) =	ssettag $0x2  }
0xa5: {  	s0 =	rddreg [dreg:$0x0];
	s2 =	stileid.u32  }
0xa6: {  	s1 =	rddreg [dreg:$0x1];
	p0 =	sne.s32 s2, $0x0  }
0xa7: {  	s3 =	rddreg [dreg:$0x2];
	[bflag:$0x3] =	sbarrier.arrive $0xFFFF;
	s2 =	simm.s32 @!p0 $0x1C09  }
0xa8: {  	[timem:s3], [sflag:s2] =	dma.local @!p0 [hbm:s0], s1  }
0xa9: {  	s0 =	simm.s32 @!p0 $0x9  }
0xaa: {  	_ =	swait.ge @!p0 [sflag:s0], s1  }
0xab: {  	s1 =	ssub.s32 @!p0 $0x0, s1;
	[sflag:s0] =	ssyncset.done @!p0 $0x0  }
0xac: {  	[sflag:s0] =	ssyncadd.s32 @!p0 s1  }
0xad: {  	[bflag:$0x3] =	sbarrier.arrive $0xFFFF  }
0xae: {  	_ =	shalt  }

</sc_bundles>
